<compile_context>
chip_gen: v7x
topology: tpu7x:2x2x1
jax: 0.10.2.dev20260603
libtpu: 0.0.44.dev20260713+nightly
codegen_flags: <defaults>
</compile_context>

<pallas_src>
import functools

import jax
import jax.numpy as jnp
from jax import lax
from jax.experimental import pallas as pl
from jax.experimental.pallas import tpu as pltpu
from jax.experimental.pallas import tpu_sc as plsc

_N = 2048
_B = 8
_E = 12288
_NTILES = 32
_CHUNK_ROWS = 32
_LANES = 16

_DIMS = [1536, 512, 512, 256, 256, 128, 128]



_POS = None


def _pmax(x, pos):
    for sh in (1, 2, 4, 8):
        sx = x.at[jnp.maximum(pos - sh, 0)].get(mode="promise_in_bounds")
        x = jnp.maximum(x, jnp.where(pos >= sh, sx, 0))
    return x


def _psum(x, pos):
    for sh in (1, 2, 4, 8):
        sx = x.at[jnp.maximum(pos - sh, 0)].get(mode="promise_in_bounds")
        x = x + jnp.where(pos >= sh, sx, 0)
    return x


def _adj_body(edges_hbm, out_hbm, src_v, dst_v, side_v, block_v):
    wid = lax.axis_index("s") * 2 + lax.axis_index("c")
    pltpu.sync_copy(edges_hbm.at[0], src_v)
    pltpu.sync_copy(edges_hbm.at[1], dst_v)

    big = jnp.int32(2147483647)
    pos = lax.iota(jnp.int32, _LANES)
    ones = jnp.ones((_LANES,), jnp.float32)
    base = wid * 64

    def zero_block():
        def zb(i, carry):
            block_v[i >> 7, pl.ds((i & 127) * _LANES, _LANES)] = (
                jnp.zeros((_LANES,), jnp.float32))
            return carry
        lax.fori_loop(0, _CHUNK_ROWS * _N // _LANES, zb, 0, unroll=8)

    def gat(x, idx):
        return x.at[idx].get(mode="promise_in_bounds")

    zero_block()

    def edge_body(i, off):
        d = dst_v[pl.ds(i * _LANES, _LANES)]
        s = src_v[pl.ds(i * _LANES, _LANES)]
        valid = (d >= base) & (d < base + 64)

        def hit(off):
            local = (d - base) * _N + s
            key = jnp.where(valid, local, big)
            skey = jnp.sort(key)
            prev = gat(skey, jnp.maximum(pos - 1, 0))
            nxt = gat(skey, jnp.minimum(pos + 1, _LANES - 1))
            is_start = (skey != prev) | (pos == 0)
            is_end = ((skey != nxt) | (pos == _LANES - 1)) & (skey != big)
            run_start = _pmax(jnp.where(is_start, pos, 0), pos)
            cnt = pos - run_start + 1
            lo = is_end & (skey < _CHUNK_ROWS * _N)
            hi = is_end & (skey >= _CHUNK_ROWS * _N) & (skey != big)
            rows = jnp.where(lo, lax.shift_right_logical(skey, 11), 0)
            cols = jnp.where(lo, jnp.bitwise_and(skey, _N - 1), 0)
            plsc.addupdate_scatter(block_v, [rows, cols],
                                   cnt.astype(jnp.float32), mask=lo)
            packed = jnp.bitwise_or(
                lax.shift_left(skey - _CHUNK_ROWS * _N, 5), cnt)
            plsc.store_compressed(side_v.at[pl.ds(off, _LANES)], packed,
                                  mask=hi)
            return off + jnp.sum(hi.astype(jnp.int32))

        return lax.cond(jnp.any(valid), hit, lambda o: o, off)

    nhi = lax.fori_loop(0, _E // _LANES, edge_body, jnp.int32(0))

    for j in range(2):
        r = pos + j * _LANES
        plsc.addupdate_scatter(block_v, [r, base + r], ones)
    pltpu.sync_copy(block_v, out_hbm.at[pl.ds(base, _CHUNK_ROWS)])

    zero_block()

    def side_body(i, carry):
        rem = nhi - i * _LANES
        lane_ok = pos < rem
        p = side_v[pl.ds(i * _LANES, _LANES)]
        kp = jnp.where(lane_ok, p, big)
        skp = jnp.sort(kp)
        kkey = lax.shift_right_logical(skp, 5)
        cntv = jnp.bitwise_and(skp, 31)
        prev = gat(kkey, jnp.maximum(pos - 1, 0))
        nxt = gat(kkey, jnp.minimum(pos + 1, _LANES - 1))
        is_start = (kkey != prev) | (pos == 0)
        is_end = (kkey != nxt) | (pos == _LANES - 1)
        cs = _psum(cntv, pos)
        run_start = _pmax(jnp.where(is_start, pos, 0), pos)
        csprev = gat(cs, jnp.maximum(run_start - 1, 0))
        total = cs - jnp.where(run_start > 0, csprev, 0)
        vend = is_end & (kkey < _CHUNK_ROWS * _N)
        rows = jnp.where(vend, lax.shift_right_logical(kkey, 11), 0)
        cols = jnp.where(vend, jnp.bitwise_and(kkey, _N - 1), 0)
        plsc.addupdate_scatter(block_v, [rows, cols],
                               total.astype(jnp.float32), mask=vend)
        return carry

    nb = (nhi + _LANES - 1) // _LANES
    lax.fori_loop(0, nb, side_body, 0)

    for j in range(2):
        r = pos + j * _LANES
        plsc.addupdate_scatter(block_v, [r, base + _CHUNK_ROWS + r], ones)
    pltpu.sync_copy(block_v,
                    out_hbm.at[pl.ds(base + _CHUNK_ROWS, _CHUNK_ROWS)])


def _build_adj(edges):
    k = pl.kernel(
        _adj_body,
        out_type=jax.ShapeDtypeStruct((_N, _N), jnp.float32),
        mesh=plsc.VectorSubcoreMesh(core_axis_name="c", subcore_axis_name="s"),
        compiler_params=pltpu.CompilerParams(needs_layout_passes=False,
                                             use_tc_tiling_on_sc=True),
        scratch_types=[
            pltpu.VMEM((_E,), jnp.int32),
            pltpu.VMEM((_E,), jnp.int32),
            pltpu.VMEM((_E + _LANES,), jnp.int32),
            pltpu.VMEM((_CHUNK_ROWS, _N), jnp.float32),
        ],
    )
    return k(edges)



def _deg_kernel(adj_ref, o_ref):
    deg = jnp.sum(adj_ref[...], axis=1)
    o_ref[0, 0, :] = lax.rsqrt(deg)


def _compute_dinv(adj):
    out = pl.pallas_call(
        _deg_kernel,
        grid=(_N // 128,),
        in_specs=[pl.BlockSpec((128, _N), lambda i: (i, 0))],
        out_specs=pl.BlockSpec((1, 1, 128), lambda i: (i, 0, 0)),
        out_shape=jax.ShapeDtypeStruct((_N // 128, 1, 128), jnp.float32),
    )(adj)
    return out.reshape(_N)


def _scale_kernel(adj_ref, dcol_ref, drow_ref, o_ref, r_ref):
    v = adj_ref[...] * dcol_ref[:, 0:1] * drow_ref[...]
    o_ref[...] = v.astype(jnp.bfloat16)
    r_ref[0, 0, :] = jnp.sum(v, axis=1)


def _normalize_adj(adj, dinv):
    dcol = jnp.broadcast_to(dinv.reshape(_N, 1), (_N, 128))
    drow = dinv.reshape(1, _N)
    a, rowa = pl.pallas_call(
        _scale_kernel,
        grid=(_N // 128,),
        in_specs=[
            pl.BlockSpec((128, _N), lambda i: (i, 0)),
            pl.BlockSpec((128, 128), lambda i: (i, 0)),
            pl.BlockSpec((1, _N), lambda i: (0, 0)),
        ],
        out_specs=[
            pl.BlockSpec((128, _N), lambda i: (i, 0)),
            pl.BlockSpec((1, 1, 128), lambda i: (i, 0, 0)),
        ],
        out_shape=[
            jax.ShapeDtypeStruct((_N, _N), jnp.bfloat16),
            jax.ShapeDtypeStruct((_N // 128, 1, 128), jnp.float32),
        ],
    )(adj, dcol, drow)
    return a, rowa.reshape(_N)


def _sq_kernel(arow_ref, afull_ref, o_ref):
    v = jnp.dot(arow_ref[...], afull_ref[...],
                preferred_element_type=jnp.float32)
    o_ref[...] = v.astype(jnp.bfloat16)


def _square_adj(a, bm=512):
    return pl.pallas_call(
        _sq_kernel,
        grid=(_N // bm,),
        in_specs=[
            pl.BlockSpec((bm, _N), lambda i: (i, 0)),
            pl.BlockSpec((_N, _N), lambda i: (0, 0)),
        ],
        out_specs=pl.BlockSpec((bm, _N), lambda i: (i, 0)),
        out_shape=jax.ShapeDtypeStruct((_N, _N), jnp.bfloat16),
        compiler_params=pltpu.CompilerParams(
            dimension_semantics=("arbitrary",)),
    )(a, a)


def _xw_kernel(x_ref, w_ref, o_ref):
    v = jnp.dot(x_ref[...], w_ref[...], preferred_element_type=jnp.float32)
    o_ref[...] = v.astype(jnp.bfloat16)


def _dense(x, w, bm=1024):
    m, kdim = x.shape
    _, n = w.shape
    return pl.pallas_call(
        _xw_kernel,
        grid=(m // bm,),
        in_specs=[
            pl.BlockSpec((bm, kdim), lambda i: (i, 0)),
            pl.BlockSpec((kdim, n), lambda i: (0, 0)),
        ],
        out_specs=pl.BlockSpec((bm, n), lambda i: (i, 0)),
        out_shape=jax.ShapeDtypeStruct((m, n), jnp.bfloat16),
        compiler_params=pltpu.CompilerParams(
            dimension_semantics=("arbitrary",)),
    )(x, w)


def _gm_kernel(g_ref, w_ref, o_ref):
    v = jnp.dot(g_ref[...].astype(jnp.bfloat16), w_ref[...],
                preferred_element_type=jnp.float32)
    o_ref[...] = v


def _global_matmul(gf, w0c):
    return pl.pallas_call(
        _gm_kernel,
        out_shape=jax.ShapeDtypeStruct((_B, w0c.shape[1]), jnp.float32),
    )(gf, w0c)


_DNT = (((0,), (0,)), ((), ()))


def _l0_kernel(lft_ref, bvt_ref, gm_ref, wb_ref, wa_ref, o_ref):
    xt = lft_ref[0].astype(jnp.bfloat16)
    v = lax.dot_general(xt, wb_ref[...], _DNT,
                        preferred_element_type=jnp.float32)
    v += lax.dot_general(bvt_ref[:, pl.program_id(0), :], wa_ref[...], _DNT,
                         preferred_element_type=jnp.float32)
    v += gm_ref[0]
    o_ref[0] = v.astype(jnp.bfloat16)


def _layer0(lft, bvt, gm, w0b, w0a, bm=512):
    kdim = lft.shape[1]
    n = w0b.shape[1]
    return pl.pallas_call(
        _l0_kernel,
        grid=(_B, _N // bm),
        in_specs=[
            pl.BlockSpec((1, kdim, bm), lambda b, m: (b, 0, m)),
            pl.BlockSpec((3, _B, bm), lambda b, m: (0, 0, m)),
            pl.BlockSpec((1, 1, n), lambda b, m: (b, 0, 0)),
            pl.BlockSpec((kdim, n), lambda b, m: (0, 0)),
            pl.BlockSpec((3, n), lambda b, m: (0, 0)),
        ],
        out_specs=pl.BlockSpec((1, bm, n), lambda b, m: (b, m, 0)),
        out_shape=jax.ShapeDtypeStruct((_B, _N, n), jnp.bfloat16),
        compiler_params=pltpu.CompilerParams(
            dimension_semantics=("arbitrary", "arbitrary"),
            fuse_transposed_lhs_in_matmul=True),
    )(lft, bvt, gm, w0b, w0a)


def _leaky(v):
    return jnp.where(v >= 0, v, 0.01 * v)


def _pair_kernel(a2_ref, h_ref, rv_ref, bw_ref, b_ref, o_ref):
    v = jnp.dot(a2_ref[...], h_ref[0], preferred_element_type=jnp.float32)
    v += rv_ref[:, 0:1] * bw_ref[...]
    v += b_ref[...]
    o_ref[0] = _leaky(v)


def _pairdense_kernel(a2_ref, h_ref, rv_ref, bw_ref, b_ref, w_ref, o_ref):
    v = jnp.dot(a2_ref[...], h_ref[0], preferred_element_type=jnp.float32)
    v += rv_ref[:, 0:1] * bw_ref[...]
    v += b_ref[...]
    v = _leaky(v).astype(jnp.bfloat16)
    o_ref[0] = jnp.dot(v, w_ref[...],
                       preferred_element_type=jnp.float32).astype(jnp.bfloat16)


def _pair(a2, h, rv, bw, b, w=None):
    n = h.shape[-1]
    args = [a2, h, rv, bw, b]
    specs = [
        pl.BlockSpec((_N, _N), lambda i: (0, 0)),
        pl.BlockSpec((1, _N, n), lambda i: (i, 0, 0)),
        pl.BlockSpec((_N, 128), lambda i: (0, 0)),
        pl.BlockSpec((1, n), lambda i: (0, 0)),
        pl.BlockSpec((1, n), lambda i: (0, 0)),
    ]
    if w is None:
        body, nout, odt = _pair_kernel, n, jnp.float32
    else:
        args.append(w)
        specs.append(pl.BlockSpec((n, w.shape[1]), lambda i: (0, 0)))
        body, nout, odt = _pairdense_kernel, w.shape[1], jnp.bfloat16
    return pl.pallas_call(
        body,
        grid=(_B,),
        in_specs=specs,
        out_specs=pl.BlockSpec((1, _N, nout), lambda i: (i, 0, 0)),
        out_shape=jax.ShapeDtypeStruct((_B, _N, nout), odt),
        compiler_params=pltpu.CompilerParams(
            dimension_semantics=("arbitrary",)),
    )(*args)


def _dec_kernel(f_ref, w_ref, b_ref, o_ref):
    v = jnp.dot(f_ref[...], w_ref[...], preferred_element_type=jnp.float32)
    o_ref[...] = jnp.tanh(v + b_ref[...]) * 0.1


def _decoder(feats, w_dec, b_dec, bn=512):
    m, kdim = feats.shape
    return pl.pallas_call(
        _dec_kernel,
        grid=(kdim // bn,),
        in_specs=[
            pl.BlockSpec((m, kdim), lambda i: (0, 0)),
            pl.BlockSpec((kdim, bn), lambda i: (0, i)),
            pl.BlockSpec((1, bn), lambda i: (0, i)),
        ],
        out_specs=pl.BlockSpec((m, bn), lambda i: (0, i)),
        out_shape=jax.ShapeDtypeStruct((m, kdim), jnp.float32),
        compiler_params=pltpu.CompilerParams(
            dimension_semantics=("arbitrary",)),
    )(feats, w_dec, b_dec)



def _pad2(w, rows, cols):
    r, c = w.shape
    return jnp.pad(w, ((0, rows - r), (0, cols - c)))


def kernel(batch_vertices, local_features, global_features, edges,
           W0, b0, W1, b1, W2, b2, W3, b3, W4, b4, W5, b5, W_dec, b_dec):
    bf = jnp.bfloat16
    adj = _build_adj(edges)
    dinv = _compute_dinv(adj)
    a, rowa = _normalize_adj(adj, dinv)
    rv = jnp.broadcast_to(rowa.reshape(_N, 1), (_N, 128))
    a2 = _square_adj(a)

    w01aug = _dense(jnp.concatenate([W0, b0[None]], 0).astype(bf),
                    W1.astype(bf), bm=W0.shape[0] + 1)
    w23aug = _dense(jnp.concatenate([W2, b2[None]], 0).astype(bf),
                    W3.astype(bf), bm=513)
    w45aug = _dense(jnp.concatenate([W4, b4[None]], 0).astype(bf),
                    W5.astype(bf), bm=257)

    nf = local_features.shape[-1]
    w01a = w01aug[:3].astype(jnp.float32)
    w01b = w01aug[3:3 + nf]
    w01c = w01aug[3 + nf:3 + nf + _DIMS[1]]
    bw1 = w01aug[-1:].astype(jnp.float32)
    w23 = w23aug[:512]
    bw3 = w23aug[512:513].astype(jnp.float32)
    w45 = _pad2(w45aug[:256], 256, 128)
    bw5 = _pad2(w45aug[256:257].astype(jnp.float32), 1, 128)
    b5p = _pad2(b5.reshape(1, -1), 1, 128)

    gm = _global_matmul(global_features, w01c).reshape(_B, 1, _DIMS[1])
    lft = jnp.transpose(local_features, (0, 2, 1))
    bvt = jnp.transpose(batch_vertices, (2, 0, 1))
    h1 = _layer0(lft, bvt, gm, w01b, w01a)
    h2 = _pair(a2, h1, rv, bw1, b1.reshape(1, -1), w=w23)
    h3 = _pair(a2, h2, rv, bw3, b3.reshape(1, -1), w=w45)
    x6 = _pair(a2, h3, rv, bw5, b5p)

    feats = x6[..., :3].reshape(_B, _N * 3)
    out = _decoder(feats, W_dec, b_dec.reshape(1, _N * 3))
    return out.reshape(_B, _N, 3)

# --- scband reference (transcript-rebuilt; emitter-appended) ---
"""Pipeline reference for scband-deform-gcn-30305289241172 (READ-ONLY COPY).

The authoritative reference and input builder live on the scoring server;
editing this copy changes nothing except your own understanding.
"""

import jax, jax.numpy as jnp
import numpy as np

B = 8
N = 2048
E = 12288
LAYER_DIMS = [(1475, 512), (512, 512), (512, 256), (256, 256), (256, 64), (64, 3)]

def setup_inputs(seed: int = 0):
    key = jax.random.key(seed)
    ks = jax.random.split(key, 4 + 2 * len(LAYER_DIMS) + 2)
    inp = {}
    inp["batch_vertices"] = jax.random.normal(ks[0], (B, N, 3), dtype=jnp.float32)
    inp["local_features"] = jax.random.normal(ks[1], (B, N, 960), dtype=jnp.float32)
    inp["global_features"] = jax.random.normal(ks[2], (B, 512), dtype=jnp.float32)
    inp["edges"] = jax.random.randint(ks[3], (2, E), 0, N, dtype=jnp.int32)
    for i, (din, dout) in enumerate(LAYER_DIMS):
        inp["W%d" % i] = jax.random.normal(ks[4 + 2 * i], (din, dout), dtype=jnp.float32) / np.sqrt(din)
        inp["b%d" % i] = jnp.zeros((dout,), dtype=jnp.float32)
    inp["W_dec"] = jax.random.normal(ks[-2], (N * 3, N * 3), dtype=jnp.float32) / np.sqrt(N * 3)
    inp["b_dec"] = jnp.zeros((N * 3,), dtype=jnp.float32)
    return inp

def _gcn_norm(edges, n):
    loop = jnp.arange(n, dtype=edges.dtype)
    src = jnp.concatenate([edges[0], loop])
    dst = jnp.concatenate([edges[1], loop])
    deg = jnp.zeros((n,), dtype=jnp.float32).at[dst].add(1.0)
    dinv = jnp.where(deg > 0, 1.0 / jnp.sqrt(deg), 0.0)
    norm = dinv[src] * dinv[dst]
    return src, dst, norm

def _forward(batch_vertices, local_features, global_features, params, W_dec, b_dec, edges):
    src, dst, norm = _gcn_norm(edges, N)
    gf = jnp.broadcast_to(global_features[:, None, :], (B, N, global_features.shape[-1]))
    x = jnp.concatenate([batch_vertices, local_features, gf], axis=2)
    for i, (W, b) in enumerate(params):
        h = x @ W
        msg = h[:, src, :] * norm[None, :, None]
        x = jnp.zeros_like(h).at[:, dst, :].add(msg) + b
        if i % 2 == 1:
            x = jax.nn.leaky_relu(x, negative_slope=0.01)
    features = x.reshape(B, -1)
    deformations = jnp.tanh(features @ W_dec + b_dec).reshape(B, -1, 3) * 0.1
    return deformations

def reference(batch_vertices, local_features, global_features, edges, W0, b0, W1, b1, W2, b2, W3, b3, W4, b4, W5, b5, W_dec, b_dec):
    params = [(W0, b0), (W1, b1), (W2, b2), (W3, b3), (W4, b4), (W5, b5)]
    return _forward(batch_vertices, local_features, global_features, params, W_dec, b_dec, edges)

if __name__ == "__main__":
    import jax
    _d = setup_inputs()
    print(jax.jit(kernel)(*tuple(_d.values())))

</pallas_src>

<mosaic_0001>
#map = affine_map<(d0, d1) -> (0, 0)>
module attributes {stable_mosaic.version = 14 : i64} {
  func.func @_adj_body(%arg0: i32, %arg1: i32, %arg2: memref<2x12288xi32, #tpu.memory_space<hbm>>, %arg3: memref<2048x2048xf32, #tpu.memory_space<hbm>>, %arg4: memref<12288xi32, #tpu.memory_space<vmem>>, %arg5: memref<12288xi32, #tpu.memory_space<vmem>>, %arg6: memref<12304xi32, #tpu.memory_space<vmem>>, %arg7: memref<32x2048xf32, #tpu.memory_space<vmem>>) attributes {dimension_semantics = [#tpu.dimension_semantics<core_parallel>, #tpu.dimension_semantics<subcore_parallel>], iteration_bounds = array<i64: 2, 16>, scalar_prefetch = 0 : i64, scratch_operands = 4 : i64, tpu.core_type = #tpu.core_type<sc_vector_subcore>, window_params = [{transform_indices = #map}, {transform_indices = #map}]} {
    %mul3A = arith.constant 2 : i32
    %mul3A_0 = arith.muli %arg1, %mul3A : i32
    %add3A = arith.addi %mul3A_0, %arg0 : i32
    %run_scoped3A = arith.constant 0 : i32
    "tpu.region"() ({
      %run_scoped3A_80 = tpu.sem_alloc : memref<!tpu.dma_semaphore, #tpu.memory_space<semaphore_mem>>
      %dma_start3A = arith.constant 0 : i32
      %dma_start3A_81 = tpu.memref_slice %arg2[%run_scoped3A, %dma_start3A] : memref<2x12288xi32, #tpu.memory_space<hbm>> -> memref<1x12288xi32, #tpu.memory_space<hbm>>
      %dma_start3A_82 = tpu.memref_squeeze %dma_start3A_81 : memref<1x12288xi32, #tpu.memory_space<hbm>> -> memref<12288xi32, #tpu.memory_space<hbm>>
      %dma_start3A_83 = arith.constant 0 : i32
      %dma_start3A_84 = tpu.memref_slice %arg2[%run_scoped3A, %dma_start3A_83] : memref<2x12288xi32, #tpu.memory_space<hbm>> -> memref<1x12288xi32, #tpu.memory_space<hbm>>
      %dma_start3A_85 = tpu.memref_squeeze %dma_start3A_84 : memref<1x12288xi32, #tpu.memory_space<hbm>> -> memref<12288xi32, #tpu.memory_space<hbm>>
      tpu.enqueue_dma source(%dma_start3A_85 : memref<12288xi32, #tpu.memory_space<hbm>>) target(%arg4 : memref<12288xi32, #tpu.memory_space<vmem>>) target_semaphore(%run_scoped3A_80 : memref<!tpu.dma_semaphore, #tpu.memory_space<semaphore_mem>>)
      %dma_wait3A = arith.constant 0 : i32
      %dma_wait3A_86 = tpu.memref_slice %arg2[%run_scoped3A, %dma_wait3A] : memref<2x12288xi32, #tpu.memory_space<hbm>> -> memref<1x12288xi32, #tpu.memory_space<hbm>>
      %dma_wait3A_87 = tpu.memref_squeeze %dma_wait3A_86 : memref<1x12288xi32, #tpu.memory_space<hbm>> -> memref<12288xi32, #tpu.memory_space<hbm>>
      %dma_wait3A_88 = arith.constant 0 : i32
      %dma_wait3A_89 = tpu.memref_slice %arg2[%run_scoped3A, %dma_wait3A_88] : memref<2x12288xi32, #tpu.memory_space<hbm>> -> memref<1x12288xi32, #tpu.memory_space<hbm>>
      %dma_wait3A_90 = tpu.memref_squeeze %dma_wait3A_89 : memref<1x12288xi32, #tpu.memory_space<hbm>> -> memref<12288xi32, #tpu.memory_space<hbm>>
      tpu.wait_dma2 semaphore(%run_scoped3A_80 : memref<!tpu.dma_semaphore, #tpu.memory_space<semaphore_mem>>) src(%dma_wait3A_90 : memref<12288xi32, #tpu.memory_space<hbm>>) dst(%arg4 : memref<12288xi32, #tpu.memory_space<vmem>>)
      tpu.yield
    }) : () -> ()
    %run_scoped3A_1 = arith.constant 1 : i32
    "tpu.region"() ({
      %run_scoped3A_80 = tpu.sem_alloc : memref<!tpu.dma_semaphore, #tpu.memory_space<semaphore_mem>>
      %dma_start3A = arith.constant 0 : i32
      %dma_start3A_81 = tpu.memref_slice %arg2[%run_scoped3A_1, %dma_start3A] : memref<2x12288xi32, #tpu.memory_space<hbm>> -> memref<1x12288xi32, #tpu.memory_space<hbm>>
      %dma_start3A_82 = tpu.memref_squeeze %dma_start3A_81 : memref<1x12288xi32, #tpu.memory_space<hbm>> -> memref<12288xi32, #tpu.memory_space<hbm>>
      %dma_start3A_83 = arith.constant 0 : i32
      %dma_start3A_84 = tpu.memref_slice %arg2[%run_scoped3A_1, %dma_start3A_83] : memref<2x12288xi32, #tpu.memory_space<hbm>> -> memref<1x12288xi32, #tpu.memory_space<hbm>>
      %dma_start3A_85 = tpu.memref_squeeze %dma_start3A_84 : memref<1x12288xi32, #tpu.memory_space<hbm>> -> memref<12288xi32, #tpu.memory_space<hbm>>
      tpu.enqueue_dma source(%dma_start3A_85 : memref<12288xi32, #tpu.memory_space<hbm>>) target(%arg5 : memref<12288xi32, #tpu.memory_space<vmem>>) target_semaphore(%run_scoped3A_80 : memref<!tpu.dma_semaphore, #tpu.memory_space<semaphore_mem>>)
      %dma_wait3A = arith.constant 0 : i32
      %dma_wait3A_86 = tpu.memref_slice %arg2[%run_scoped3A_1, %dma_wait3A] : memref<2x12288xi32, #tpu.memory_space<hbm>> -> memref<1x12288xi32, #tpu.memory_space<hbm>>
      %dma_wait3A_87 = tpu.memref_squeeze %dma_wait3A_86 : memref<1x12288xi32, #tpu.memory_space<hbm>> -> memref<12288xi32, #tpu.memory_space<hbm>>
      %dma_wait3A_88 = arith.constant 0 : i32
      %dma_wait3A_89 = tpu.memref_slice %arg2[%run_scoped3A_1, %dma_wait3A_88] : memref<2x12288xi32, #tpu.memory_space<hbm>> -> memref<1x12288xi32, #tpu.memory_space<hbm>>
      %dma_wait3A_90 = tpu.memref_squeeze %dma_wait3A_89 : memref<1x12288xi32, #tpu.memory_space<hbm>> -> memref<12288xi32, #tpu.memory_space<hbm>>
      tpu.wait_dma2 semaphore(%run_scoped3A_80 : memref<!tpu.dma_semaphore, #tpu.memory_space<semaphore_mem>>) src(%dma_wait3A_90 : memref<12288xi32, #tpu.memory_space<hbm>>) dst(%arg5 : memref<12288xi32, #tpu.memory_space<vmem>>)
      tpu.yield
    }) : () -> ()
    %iota3A = tpu.iota {dimensions = array<i32: 0>} : vector<16xi32>
    %broadcast_in_dim3A = arith.constant 1.000000e+00 : f32
    %broadcast_in_dim3A_2 = vector.broadcast %broadcast_in_dim3A : f32 to vector<16xf32>
    %mul3A_3 = arith.constant 64 : i32
    %mul3A_4 = arith.muli %add3A, %mul3A_3 : i32
    %scan3A = arith.constant 0 : i32
    %scan3A_5 = arith.constant 0 : i32
    %scan3A_6 = arith.constant 4096 : i32
    %scan3A_7 = arith.addi %scan3A_5, %scan3A_6 : i32
    %scan3A_8 = arith.constant 8 : i32
    scf.for %scan3A_80 = %scan3A_5 to %scan3A_7 step %scan3A_8  : i32 {
      %broadcast_in_dim3A_81 = arith.constant 0.000000e+00 : f32
      %broadcast_in_dim3A_82 = vector.broadcast %broadcast_in_dim3A_81 : f32 to vector<16xf32>
      %shift_right_arithmetic3A = arith.constant 7 : i32
      %shift_right_arithmetic3A_83 = arith.shrsi %scan3A_80, %shift_right_arithmetic3A : i32
      %and3A_84 = arith.constant 127 : i32
      %and3A_85 = arith.andi %scan3A_80, %and3A_84 : i32
      %mul3A_86 = arith.constant 16 : i32
      %mul3A_87 = arith.muli %and3A_85, %mul3A_86 : i32
      %swap3A = arith.index_cast %shift_right_arithmetic3A_83 : i32 to index
      %swap3A_88 = arith.index_cast %mul3A_87 : i32 to index
      %swap3A_89 = tpu.vector_load %arg7[%swap3A, %swap3A_88] {strides = array<i32>} : memref<32x2048xf32, #tpu.memory_space<vmem>>, vector<16xf32>,
      tpu.vector_store %arg7[%swap3A, %swap3A_88], %broadcast_in_dim3A_82 {strides = array<i32>} : memref<32x2048xf32, #tpu.memory_space<vmem>>, vector<16xf32>,
      %scan3A_90 = arith.constant 1 : i32
      %scan3A_91 = arith.addi %scan3A_80, %scan3A_90 : i32
      %broadcast_in_dim3A_92 = arith.constant 0.000000e+00 : f32
      %broadcast_in_dim3A_93 = vector.broadcast %broadcast_in_dim3A_92 : f32 to vector<16xf32>
      %shift_right_arithmetic3A_94 = arith.constant 7 : i32
      %shift_right_arithmetic3A_95 = arith.shrsi %scan3A_91, %shift_right_arithmetic3A_94 : i32
      %and3A_96 = arith.constant 127 : i32
      %and3A_97 = arith.andi %scan3A_91, %and3A_96 : i32
      %mul3A_98 = arith.constant 16 : i32
      %mul3A_99 = arith.muli %and3A_97, %mul3A_98 : i32
      %swap3A_100 = arith.index_cast %shift_right_arithmetic3A_95 : i32 to index
      %swap3A_101 = arith.index_cast %mul3A_99 : i32 to index
      %swap3A_102 = tpu.vector_load %arg7[%swap3A_100, %swap3A_101] {strides = array<i32>} : memref<32x2048xf32, #tpu.memory_space<vmem>>, vector<16xf32>,
      tpu.vector_store %arg7[%swap3A_100, %swap3A_101], %broadcast_in_dim3A_93 {strides = array<i32>} : memref<32x2048xf32, #tpu.memory_space<vmem>>, vector<16xf32>,
      %scan3A_103 = arith.constant 2 : i32
      %scan3A_104 = arith.addi %scan3A_80, %scan3A_103 : i32
      %broadcast_in_dim3A_105 = arith.constant 0.000000e+00 : f32
      %broadcast_in_dim3A_106 = vector.broadcast %broadcast_in_dim3A_105 : f32 to vector<16xf32>
      %shift_right_arithmetic3A_107 = arith.constant 7 : i32
      %shift_right_arithmetic3A_108 = arith.shrsi %scan3A_104, %shift_right_arithmetic3A_107 : i32
      %and3A_109 = arith.constant 127 : i32
      %and3A_110 = arith.andi %scan3A_104, %and3A_109 : i32
      %mul3A_111 = arith.constant 16 : i32
      %mul3A_112 = arith.muli %and3A_110, %mul3A_111 : i32
      %swap3A_113 = arith.index_cast %shift_right_arithmetic3A_108 : i32 to index
      %swap3A_114 = arith.index_cast %mul3A_112 : i32 to index
      %swap3A_115 = tpu.vector_load %arg7[%swap3A_113, %swap3A_114] {strides = array<i32>} : memref<32x2048xf32, #tpu.memory_space<vmem>>, vector<16xf32>,
      tpu.vector_store %arg7[%swap3A_113, %swap3A_114], %broadcast_in_dim3A_106 {strides = array<i32>} : memref<32x2048xf32, #tpu.memory_space<vmem>>, vector<16xf32>,
      %scan3A_116 = arith.constant 3 : i32
      %scan3A_117 = arith.addi %scan3A_80, %scan3A_116 : i32
      %broadcast_in_dim3A_118 = arith.constant 0.000000e+00 : f32
      %broadcast_in_dim3A_119 = vector.broadcast %broadcast_in_dim3A_118 : f32 to vector<16xf32>
      %shift_right_arithmetic3A_120 = arith.constant 7 : i32
      %shift_right_arithmetic3A_121 = arith.shrsi %scan3A_117, %shift_right_arithmetic3A_120 : i32
      %and3A_122 = arith.constant 127 : i32
      %and3A_123 = arith.andi %scan3A_117, %and3A_122 : i32
      %mul3A_124 = arith.constant 16 : i32
      %mul3A_125 = arith.muli %and3A_123, %mul3A_124 : i32
      %swap3A_126 = arith.index_cast %shift_right_arithmetic3A_121 : i32 to index
      %swap3A_127 = arith.index_cast %mul3A_125 : i32 to index
      %swap3A_128 = tpu.vector_load %arg7[%swap3A_126, %swap3A_127] {strides = array<i32>} : memref<32x2048xf32, #tpu.memory_space<vmem>>, vector<16xf32>,
      tpu.vector_store %arg7[%swap3A_126, %swap3A_127], %broadcast_in_dim3A_119 {strides = array<i32>} : memref<32x2048xf32, #tpu.memory_space<vmem>>, vector<16xf32>,
      %scan3A_129 = arith.constant 4 : i32
      %scan3A_130 = arith.addi %scan3A_80, %scan3A_129 : i32
      %broadcast_in_dim3A_131 = arith.constant 0.000000e+00 : f32
      %broadcast_in_dim3A_132 = vector.broadcast %broadcast_in_dim3A_131 : f32 to vector<16xf32>
      %shift_right_arithmetic3A_133 = arith.constant 7 : i32
      %shift_right_arithmetic3A_134 = arith.shrsi %scan3A_130, %shift_right_arithmetic3A_133 : i32
      %and3A_135 = arith.constant 127 : i32
      %and3A_136 = arith.andi %scan3A_130, %and3A_135 : i32
      %mul3A_137 = arith.constant 16 : i32
      %mul3A_138 = arith.muli %and3A_136, %mul3A_137 : i32
      %swap3A_139 = arith.index_cast %shift_right_arithmetic3A_134 : i32 to index
      %swap3A_140 = arith.index_cast %mul3A_138 : i32 to index
      %swap3A_141 = tpu.vector_load %arg7[%swap3A_139, %swap3A_140] {strides = array<i32>} : memref<32x2048xf32, #tpu.memory_space<vmem>>, vector<16xf32>,
      tpu.vector_store %arg7[%swap3A_139, %swap3A_140], %broadcast_in_dim3A_132 {strides = array<i32>} : memref<32x2048xf32, #tpu.memory_space<vmem>>, vector<16xf32>,
      %scan3A_142 = arith.constant 5 : i32
      %scan3A_143 = arith.addi %scan3A_80, %scan3A_142 : i32
      %broadcast_in_dim3A_144 = arith.constant 0.000000e+00 : f32
      %broadcast_in_dim3A_145 = vector.broadcast %broadcast_in_dim3A_144 : f32 to vector<16xf32>
      %shift_right_arithmetic3A_146 = arith.constant 7 : i32
      %shift_right_arithmetic3A_147 = arith.shrsi %scan3A_143, %shift_right_arithmetic3A_146 : i32
      %and3A_148 = arith.constant 127 : i32
      %and3A_149 = arith.andi %scan3A_143, %and3A_148 : i32
      %mul3A_150 = arith.constant 16 : i32
      %mul3A_151 = arith.muli %and3A_149, %mul3A_150 : i32
      %swap3A_152 = arith.index_cast %shift_right_arithmetic3A_147 : i32 to index
      %swap3A_153 = arith.index_cast %mul3A_151 : i32 to index
      %swap3A_154 = tpu.vector_load %arg7[%swap3A_152, %swap3A_153] {strides = array<i32>} : memref<32x2048xf32, #tpu.memory_space<vmem>>, vector<16xf32>,
      tpu.vector_store %arg7[%swap3A_152, %swap3A_153], %broadcast_in_dim3A_145 {strides = array<i32>} : memref<32x2048xf32, #tpu.memory_space<vmem>>, vector<16xf32>,
      %scan3A_155 = arith.constant 6 : i32
      %scan3A_156 = arith.addi %scan3A_80, %scan3A_155 : i32
      %broadcast_in_dim3A_157 = arith.constant 0.000000e+00 : f32
      %broadcast_in_dim3A_158 = vector.broadcast %broadcast_in_dim3A_157 : f32 to vector<16xf32>
      %shift_right_arithmetic3A_159 = arith.constant 7 : i32
      %shift_right_arithmetic3A_160 = arith.shrsi %scan3A_156, %shift_right_arithmetic3A_159 : i32
      %and3A_161 = arith.constant 127 : i32
      %and3A_162 = arith.andi %scan3A_156, %and3A_161 : i32
      %mul3A_163 = arith.constant 16 : i32
      %mul3A_164 = arith.muli %and3A_162, %mul3A_163 : i32
      %swap3A_165 = arith.index_cast %shift_right_arithmetic3A_160 : i32 to index
      %swap3A_166 = arith.index_cast %mul3A_164 : i32 to index
      %swap3A_167 = tpu.vector_load %arg7[%swap3A_165, %swap3A_166] {strides = array<i32>} : memref<32x2048xf32, #tpu.memory_space<vmem>>, vector<16xf32>,
      tpu.vector_store %arg7[%swap3A_165, %swap3A_166], %broadcast_in_dim3A_158 {strides = array<i32>} : memref<32x2048xf32, #tpu.memory_space<vmem>>, vector<16xf32>,
      %scan3A_168 = arith.constant 7 : i32
      %scan3A_169 = arith.addi %scan3A_80, %scan3A_168 : i32
      %broadcast_in_dim3A_170 = arith.constant 0.000000e+00 : f32
      %broadcast_in_dim3A_171 = vector.broadcast %broadcast_in_dim3A_170 : f32 to vector<16xf32>
      %shift_right_arithmetic3A_172 = arith.constant 7 : i32
      %shift_right_arithmetic3A_173 = arith.shrsi %scan3A_169, %shift_right_arithmetic3A_172 : i32
      %and3A_174 = arith.constant 127 : i32
      %and3A_175 = arith.andi %scan3A_169, %and3A_174 : i32
      %mul3A_176 = arith.constant 16 : i32
      %mul3A_177 = arith.muli %and3A_175, %mul3A_176 : i32
      %swap3A_178 = arith.index_cast %shift_right_arithmetic3A_173 : i32 to index
      %swap3A_179 = arith.index_cast %mul3A_177 : i32 to index
      %swap3A_180 = tpu.vector_load %arg7[%swap3A_178, %swap3A_179] {strides = array<i32>} : memref<32x2048xf32, #tpu.memory_space<vmem>>, vector<16xf32>,
      tpu.vector_store %arg7[%swap3A_178, %swap3A_179], %broadcast_in_dim3A_171 {strides = array<i32>} : memref<32x2048xf32, #tpu.memory_space<vmem>>, vector<16xf32>,
    }
    %scan3A_9 = arith.constant 4096 : i32
    %scan3A_10 = arith.constant 2147483647 : i32
    %scan3A_11 = arith.constant 0 : i32
    %scan3A_12 = arith.constant 0 : i32
    %scan3A_13 = arith.constant 768 : i32
    %scan3A_14 = arith.addi %scan3A_12, %scan3A_13 : i32
    %scan3A_15 = arith.constant 1 : i32
    %scan3A_16 = scf.for %scan3A_80 = %scan3A_12 to %scan3A_14 step %scan3A_15 iter_args(%scan3A_81 = %scan3A_11) -> (i32)  : i32 {
      %mul3A_82 = arith.constant 16 : i32
      %mul3A_83 = arith.muli %scan3A_80, %mul3A_82 : i32
      %get3A = arith.index_cast %mul3A_83 : i32 to index
      %get3A_84 = tpu.vector_load %arg5[%get3A] {strides = array<i32>} : memref<12288xi32, #tpu.memory_space<vmem>>, vector<16xi32>,
      %mul3A_85 = arith.constant 16 : i32
      %mul3A_86 = arith.muli %scan3A_80, %mul3A_85 : i32
      %get3A_87 = arith.index_cast %mul3A_86 : i32 to index
      %get3A_88 = tpu.vector_load %arg4[%get3A_87] {strides = array<i32>} : memref<12288xi32, #tpu.memory_space<vmem>>, vector<16xi32>,
      %ge3A = vector.broadcast %mul3A_4 : i32 to vector<16xi32>
      %ge3A_89 = arith.cmpi sge, %get3A_84, %ge3A : vector<16xi32>
      %add3A_90 = arith.constant 64 : i32
      %add3A_91 = arith.addi %mul3A_4, %add3A_90 : i32
      %lt3A = vector.broadcast %add3A_91 : i32 to vector<16xi32>
      %lt3A_92 = arith.cmpi slt, %get3A_84, %lt3A : vector<16xi32>
      %and3A_93 = arith.andi %ge3A_89, %lt3A_92 : vector<16xi1>
      %reduce_or3A = arith.constant 1.000000e+00 : f32
      %reduce_or3A_94 = arith.constant 0.000000e+00 : f32
      %reduce_or3A_95 = vector.broadcast %reduce_or3A : f32 to vector<16xf32>
      %reduce_or3A_96 = vector.broadcast %reduce_or3A_94 : f32 to vector<16xf32>
      %reduce_or3A_97 = arith.select %and3A_93, %reduce_or3A_95, %reduce_or3A_96 : vector<16xi1>, vector<16xf32>
      %reduce_or3A_98 = arith.constant true
      %reduce_or3A_99 = vector.broadcast %reduce_or3A_98 : i1 to vector<16xi1>
      %reduce_or3A_100 = tpu.scan <max>, %reduce_or3A_97 masked %reduce_or3A_99 : vector<16xf32>, vector<16xi1> -> vector<16xf32>
      %reduce_or3A_101 = vector.extract %reduce_or3A_100[15] : f32 from vector<16xf32>
      %reduce_or3A_102 = arith.constant 0.000000e+00 : f32
      %reduce_or3A_103 = arith.cmpf ogt, %reduce_or3A_101, %reduce_or3A_102 : f32
      %convert_element_type3A = arith.extui %reduce_or3A_103 : i1 to i32
      %cond3A = arith.constant 0 : i32
      %cond3A_104 = arith.cmpi ne, %convert_element_type3A, %cond3A : i32
      %cond3A_105 = scf.if %cond3A_104 -> (i32) {
        %sub3A_106 = vector.broadcast %mul3A_4 : i32 to vector<16xi32>
        %sub3A_107 = arith.subi %get3A_84, %sub3A_106 : vector<16xi32>
        %mul3A_108 = arith.constant 2048 : i32
        %mul3A_109 = vector.broadcast %mul3A_108 : i32 to vector<16xi32>
        %mul3A_110 = arith.muli %sub3A_107, %mul3A_109 : vector<16xi32>
        %add3A_111 = arith.addi %mul3A_110, %get3A_88 : vector<16xi32>
        %broadcast_in_dim3A_112 = vector.broadcast %scan3A_10 : i32 to vector<16xi32>
        %select_n3A_113 = arith.select %and3A_93, %add3A_111, %broadcast_in_dim3A_112 : vector<16xi1>, vector<16xi32>
        %sort3A = arith.constant dense<true> : vector<16xi1>
        %sort3A_114, %sort3A_115, %sort3A_116 = tpu.sort %select_n3A_113, %select_n3A_113 masked %sort3A : (vector<16xi32>, vector<16xi32>, vector<16xi1>) -> (vector<16xi1>, vector<16xi32>, vector<16xi32>)
        %sub3A_117 = arith.constant 1 : i32
        %sub3A_118 = vector.broadcast %sub3A_117 : i32 to vector<16xi32>
        %sub3A_119 = arith.subi %iota3A, %sub3A_118 : vector<16xi32>
        %max3A = arith.constant 0 : i32
        %max3A_120 = vector.broadcast %max3A : i32 to vector<16xi32>
        %max3A_121 = arith.maxsi %sub3A_119, %max3A_120 : vector<16xi32>
        %lt3A_122 = arith.constant 0 : i32
        %lt3A_123 = vector.broadcast %lt3A_122 : i32 to vector<16xi32>
        %lt3A_124 = arith.cmpi slt, %max3A_121, %lt3A_123 : vector<16xi32>
        %add3A_125 = arith.constant 16 : i32
        %add3A_126 = vector.broadcast %add3A_125 : i32 to vector<16xi32>
        %add3A_127 = arith.addi %max3A_121, %add3A_126 : vector<16xi32>
        %select_n3A_128 = arith.select %lt3A_124, %add3A_127, %max3A_121 : vector<16xi1>, vector<16xi32>
        %broadcast_in_dim3A_129 = vector.shape_cast %select_n3A_128 : vector<16xi32> to vector<16x1xi32>
        %gather3A = vector.shape_cast %broadcast_in_dim3A_129 : vector<16x1xi32> to vector<16xi32>
        %gather3A_130 = tpu.dynamic_gather %sort3A_115[%gather3A] in [0] : vector<16xi32>, vector<16xi32> -> vector<16xi32>
        %add3A_131 = arith.constant 1 : i32
        %add3A_132 = vector.broadcast %add3A_131 : i32 to vector<16xi32>
        %add3A_133 = arith.addi %iota3A, %add3A_132 : vector<16xi32>
        %min3A = arith.constant 15 : i32
        %min3A_134 = vector.broadcast %min3A : i32 to vector<16xi32>
        %min3A_135 = arith.minsi %add3A_133, %min3A_134 : vector<16xi32>
        %lt3A_136 = arith.constant 0 : i32
        %lt3A_137 = vector.broadcast %lt3A_136 : i32 to vector<16xi32>
        %lt3A_138 = arith.cmpi slt, %min3A_135, %lt3A_137 : vector<16xi32>
        %add3A_139 = arith.constant 16 : i32
        %add3A_140 = vector.broadcast %add3A_139 : i32 to vector<16xi32>
        %add3A_141 = arith.addi %min3A_135, %add3A_140 : vector<16xi32>
        %select_n3A_142 = arith.select %lt3A_138, %add3A_141, %min3A_135 : vector<16xi1>, vector<16xi32>
        %broadcast_in_dim3A_143 = vector.shape_cast %select_n3A_142 : vector<16xi32> to vector<16x1xi32>
        %gather3A_144 = vector.shape_cast %broadcast_in_dim3A_143 : vector<16x1xi32> to vector<16xi32>
        %gather3A_145 = tpu.dynamic_gather %sort3A_115[%gather3A_144] in [0] : vector<16xi32>, vector<16xi32> -> vector<16xi32>
        %ne3A_146 = arith.cmpi ne, %sort3A_115, %gather3A_130 : vector<16xi32>
        %eq3A = arith.constant 0 : i32
        %eq3A_147 = vector.broadcast %eq3A : i32 to vector<16xi32>
        %eq3A_148 = arith.cmpi eq, %iota3A, %eq3A_147 : vector<16xi32>
        %or3A = arith.ori %ne3A_146, %eq3A_148 : vector<16xi1>
        %ne3A_149 = arith.cmpi ne, %sort3A_115, %gather3A_145 : vector<16xi32>
        %eq3A_150 = arith.constant 15 : i32
        %eq3A_151 = vector.broadcast %eq3A_150 : i32 to vector<16xi32>
        %eq3A_152 = arith.cmpi eq, %iota3A, %eq3A_151 : vector<16xi32>
        %or3A_153 = arith.ori %ne3A_149, %eq3A_152 : vector<16xi1>
        %ne3A_154 = vector.broadcast %scan3A_10 : i32 to vector<16xi32>
        %ne3A_155 = arith.cmpi ne, %sort3A_115, %ne3A_154 : vector<16xi32>
        %and3A_156 = arith.andi %or3A_153, %ne3A_155 : vector<16xi1>
        %jit3A_157 = arith.constant 0 : i32
        %broadcast_in_dim3A_158 = vector.broadcast %jit3A_157 : i32 to vector<16xi32>
        %select_n3A_159 = arith.select %or3A, %iota3A, %broadcast_in_dim3A_158 : vector<16xi1>, vector<16xi32>
        %sub3A_160 = arith.constant 1 : i32
        %sub3A_161 = vector.broadcast %sub3A_160 : i32 to vector<16xi32>
        %sub3A_162 = arith.subi %iota3A, %sub3A_161 : vector<16xi32>
        %max3A_163 = arith.constant 0 : i32
        %max3A_164 = vector.broadcast %max3A_163 : i32 to vector<16xi32>
        %max3A_165 = arith.maxsi %sub3A_162, %max3A_164 : vector<16xi32>
        %lt3A_166 = arith.constant 0 : i32
        %lt3A_167 = vector.broadcast %lt3A_166 : i32 to vector<16xi32>
        %lt3A_168 = arith.cmpi slt, %max3A_165, %lt3A_167 : vector<16xi32>
        %add3A_169 = arith.constant 16 : i32
        %add3A_170 = vector.broadcast %add3A_169 : i32 to vector<16xi32>
        %add3A_171 = arith.addi %max3A_165, %add3A_170 : vector<16xi32>
        %select_n3A_172 = arith.select %lt3A_168, %add3A_171, %max3A_165 : vector<16xi1>, vector<16xi32>
        %broadcast_in_dim3A_173 = vector.shape_cast %select_n3A_172 : vector<16xi32> to vector<16x1xi32>
        %gather3A_174 = vector.shape_cast %broadcast_in_dim3A_173 : vector<16x1xi32> to vector<16xi32>
        %gather3A_175 = tpu.dynamic_gather %select_n3A_159[%gather3A_174] in [0] : vector<16xi32>, vector<16xi32> -> vector<16xi32>
        %ge3A_176 = arith.constant 1 : i32
        %ge3A_177 = vector.broadcast %ge3A_176 : i32 to vector<16xi32>
        %ge3A_178 = arith.cmpi sge, %iota3A, %ge3A_177 : vector<16xi32>
        %jit3A_179 = arith.constant 0 : i32
        %broadcast_in_dim3A_180 = vector.broadcast %jit3A_179 : i32 to vector<16xi32>
        %select_n3A_181 = arith.select %ge3A_178, %gather3A_175, %broadcast_in_dim3A_180 : vector<16xi1>, vector<16xi32>
        %max3A_182 = arith.maxsi %select_n3A_159, %select_n3A_181 : vector<16xi32>
        %sub3A_183 = arith.constant 2 : i32
        %sub3A_184 = vector.broadcast %sub3A_183 : i32 to vector<16xi32>
        %sub3A_185 = arith.subi %iota3A, %sub3A_184 : vector<16xi32>
        %max3A_186 = arith.constant 0 : i32
        %max3A_187 = vector.broadcast %max3A_186 : i32 to vector<16xi32>
        %max3A_188 = arith.maxsi %sub3A_185, %max3A_187 : vector<16xi32>
        %lt3A_189 = arith.constant 0 : i32
        %lt3A_190 = vector.broadcast %lt3A_189 : i32 to vector<16xi32>
        %lt3A_191 = arith.cmpi slt, %max3A_188, %lt3A_190 : vector<16xi32>
        %add3A_192 = arith.constant 16 : i32
        %add3A_193 = vector.broadcast %add3A_192 : i32 to vector<16xi32>
        %add3A_194 = arith.addi %max3A_188, %add3A_193 : vector<16xi32>
        %select_n3A_195 = arith.select %lt3A_191, %add3A_194, %max3A_188 : vector<16xi1>, vector<16xi32>
        %broadcast_in_dim3A_196 = vector.shape_cast %select_n3A_195 : vector<16xi32> to vector<16x1xi32>
        %gather3A_197 = vector.shape_cast %broadcast_in_dim3A_196 : vector<16x1xi32> to vector<16xi32>
        %gather3A_198 = tpu.dynamic_gather %max3A_182[%gather3A_197] in [0] : vector<16xi32>, vector<16xi32> -> vector<16xi32>
        %ge3A_199 = arith.constant 2 : i32
        %ge3A_200 = vector.broadcast %ge3A_199 : i32 to vector<16xi32>
        %ge3A_201 = arith.cmpi sge, %iota3A, %ge3A_200 : vector<16xi32>
        %jit3A_202 = arith.constant 0 : i32
        %broadcast_in_dim3A_203 = vector.broadcast %jit3A_202 : i32 to vector<16xi32>
        %select_n3A_204 = arith.select %ge3A_201, %gather3A_198, %broadcast_in_dim3A_203 : vector<16xi1>, vector<16xi32>
        %max3A_205 = arith.maxsi %max3A_182, %select_n3A_204 : vector<16xi32>
        %sub3A_206 = arith.constant 4 : i32
        %sub3A_207 = vector.broadcast %sub3A_206 : i32 to vector<16xi32>
        %sub3A_208 = arith.subi %iota3A, %sub3A_207 : vector<16xi32>
        %max3A_209 = arith.constant 0 : i32
        %max3A_210 = vector.broadcast %max3A_209 : i32 to vector<16xi32>
        %max3A_211 = arith.maxsi %sub3A_208, %max3A_210 : vector<16xi32>
        %lt3A_212 = arith.constant 0 : i32
        %lt3A_213 = vector.broadcast %lt3A_212 : i32 to vector<16xi32>
        %lt3A_214 = arith.cmpi slt, %max3A_211, %lt3A_213 : vector<16xi32>
        %add3A_215 = arith.constant 16 : i32
        %add3A_216 = vector.broadcast %add3A_215 : i32 to vector<16xi32>
        %add3A_217 = arith.addi %max3A_211, %add3A_216 : vector<16xi32>
        %select_n3A_218 = arith.select %lt3A_214, %add3A_217, %max3A_211 : vector<16xi1>, vector<16xi32>
        %broadcast_in_dim3A_219 = vector.shape_cast %select_n3A_218 : vector<16xi32> to vector<16x1xi32>
        %gather3A_220 = vector.shape_cast %broadcast_in_dim3A_219 : vector<16x1xi32> to vector<16xi32>
        %gather3A_221 = tpu.dynamic_gather %max3A_205[%gather3A_220] in [0] : vector<16xi32>, vector<16xi32> -> vector<16xi32>
        %ge3A_222 = arith.constant 4 : i32
        %ge3A_223 = vector.broadcast %ge3A_222 : i32 to vector<16xi32>
        %ge3A_224 = arith.cmpi sge, %iota3A, %ge3A_223 : vector<16xi32>
        %jit3A_225 = arith.constant 0 : i32
        %broadcast_in_dim3A_226 = vector.broadcast %jit3A_225 : i32 to vector<16xi32>
        %select_n3A_227 = arith.select %ge3A_224, %gather3A_221, %broadcast_in_dim3A_226 : vector<16xi1>, vector<16xi32>
        %max3A_228 = arith.maxsi %max3A_205, %select_n3A_227 : vector<16xi32>
        %sub3A_229 = arith.constant 8 : i32
        %sub3A_230 = vector.broadcast %sub3A_229 : i32 to vector<16xi32>
        %sub3A_231 = arith.subi %iota3A, %sub3A_230 : vector<16xi32>
        %max3A_232 = arith.constant 0 : i32
        %max3A_233 = vector.broadcast %max3A_232 : i32 to vector<16xi32>
        %max3A_234 = arith.maxsi %sub3A_231, %max3A_233 : vector<16xi32>
        %lt3A_235 = arith.constant 0 : i32
        %lt3A_236 = vector.broadcast %lt3A_235 : i32 to vector<16xi32>
        %lt3A_237 = arith.cmpi slt, %max3A_234, %lt3A_236 : vector<16xi32>
        %add3A_238 = arith.constant 16 : i32
        %add3A_239 = vector.broadcast %add3A_238 : i32 to vector<16xi32>
        %add3A_240 = arith.addi %max3A_234, %add3A_239 : vector<16xi32>
        %select_n3A_241 = arith.select %lt3A_237, %add3A_240, %max3A_234 : vector<16xi1>, vector<16xi32>
        %broadcast_in_dim3A_242 = vector.shape_cast %select_n3A_241 : vector<16xi32> to vector<16x1xi32>
        %gather3A_243 = vector.shape_cast %broadcast_in_dim3A_242 : vector<16x1xi32> to vector<16xi32>
        %gather3A_244 = tpu.dynamic_gather %max3A_228[%gather3A_243] in [0] : vector<16xi32>, vector<16xi32> -> vector<16xi32>
        %ge3A_245 = arith.constant 8 : i32
        %ge3A_246 = vector.broadcast %ge3A_245 : i32 to vector<16xi32>
        %ge3A_247 = arith.cmpi sge, %iota3A, %ge3A_246 : vector<16xi32>
        %jit3A_248 = arith.constant 0 : i32
        %broadcast_in_dim3A_249 = vector.broadcast %jit3A_248 : i32 to vector<16xi32>
        %select_n3A_250 = arith.select %ge3A_247, %gather3A_244, %broadcast_in_dim3A_249 : vector<16xi1>, vector<16xi32>
        %max3A_251 = arith.maxsi %max3A_228, %select_n3A_250 : vector<16xi32>
        %sub3A_252 = arith.subi %iota3A, %max3A_251 : vector<16xi32>
        %add3A_253 = arith.constant 1 : i32
        %add3A_254 = vector.broadcast %add3A_253 : i32 to vector<16xi32>
        %add3A_255 = arith.addi %sub3A_252, %add3A_254 : vector<16xi32>
        %lt3A_256 = arith.constant 65536 : i32
        %lt3A_257 = vector.broadcast %lt3A_256 : i32 to vector<16xi32>
        %lt3A_258 = arith.cmpi slt, %sort3A_115, %lt3A_257 : vector<16xi32>
        %and3A_259 = arith.andi %and3A_156, %lt3A_258 : vector<16xi1>
        %ge3A_260 = arith.constant 65536 : i32
        %ge3A_261 = vector.broadcast %ge3A_260 : i32 to vector<16xi32>
        %ge3A_262 = arith.cmpi sge, %sort3A_115, %ge3A_261 : vector<16xi32>
        %and3A_263 = arith.andi %and3A_156, %ge3A_262 : vector<16xi1>
        %ne3A_264 = vector.broadcast %scan3A_10 : i32 to vector<16xi32>
        %ne3A_265 = arith.cmpi ne, %sort3A_115, %ne3A_264 : vector<16xi32>
        %and3A_266 = arith.andi %and3A_263, %ne3A_265 : vector<16xi1>
        %shift_right_logical3A = arith.constant 11 : i32
        %shift_right_logical3A_267 = vector.broadcast %shift_right_logical3A : i32 to vector<16xi32>
        %shift_right_logical3A_268 = arith.shrui %sort3A_115, %shift_right_logical3A_267 : vector<16xi32>
        %jit3A_269 = arith.constant 0 : i32
        %broadcast_in_dim3A_270 = vector.broadcast %jit3A_269 : i32 to vector<16xi32>
        %select_n3A_271 = arith.select %and3A_259, %shift_right_logical3A_268, %broadcast_in_dim3A_270 : vector<16xi1>, vector<16xi32>
        %and3A_272 = arith.constant 2047 : i32
        %and3A_273 = vector.broadcast %and3A_272 : i32 to vector<16xi32>
        %and3A_274 = arith.andi %sort3A_115, %and3A_273 : vector<16xi32>
        %jit3A_275 = arith.constant 0 : i32
        %broadcast_in_dim3A_276 = vector.broadcast %jit3A_275 : i32 to vector<16xi32>
        %select_n3A_277 = arith.select %and3A_259, %and3A_274, %broadcast_in_dim3A_276 : vector<16xi1>, vector<16xi32>
        %convert_element_type3A_278 = arith.sitofp %add3A_255 : vector<16xi32> to vector<16xf32>
        tpu.vector_store_idx %arg7[%select_n3A_271, %select_n3A_277], %convert_element_type3A_278 masked %and3A_259 {add = true} : memref<32x2048xf32, #tpu.memory_space<vmem>>[vector<16xi32>, vector<16xi32>], vector<16xf32>, vector<16xi1>
        %sub3A_279 = arith.constant 65536 : i32
        %sub3A_280 = vector.broadcast %sub3A_279 : i32 to vector<16xi32>
        %sub3A_281 = arith.subi %sort3A_115, %sub3A_280 : vector<16xi32>
        %shift_left3A = arith.constant 5 : i32
        %shift_left3A_282 = vector.broadcast %shift_left3A : i32 to vector<16xi32>
        %shift_left3A_283 = arith.shli %sub3A_281, %shift_left3A_282 : vector<16xi32>
        %or3A_284 = arith.ori %shift_left3A_283, %add3A_255 : vector<16xi32>
        %swap3A = arith.index_cast %scan3A_81 : i32 to index
        %swap3A_285 = tpu.vector_load %arg6[%swap3A] masked %and3A_266 {strides = array<i32>} : memref<12304xi32, #tpu.memory_space<vmem>>, vector<16xi32>, vector<16xi1>
        tpu.vector_store %arg6[%swap3A], %or3A_284 masked %and3A_266 {strides = array<i32>} : memref<12304xi32, #tpu.memory_space<vmem>>, vector<16xi32>, vector<16xi1>
        %convert_element_type3A_286 = arith.extui %and3A_266 : vector<16xi1> to vector<16xi32>
        %reduce_sum3A = arith.constant true
        %reduce_sum3A_287 = vector.broadcast %reduce_sum3A : i1 to vector<16xi1>
        %reduce_sum3A_288 = tpu.scan <sum>, %convert_element_type3A_286 masked %reduce_sum3A_287 : vector<16xi32>, vector<16xi1> -> vector<16xi32>
        %reduce_sum3A_289 = vector.extract %reduce_sum3A_288[15] : i32 from vector<16xi32>
        %add3A_290 = arith.addi %scan3A_81, %reduce_sum3A_289 : i32
        scf.yield %add3A_290 : i32
      } else {
        scf.yield %scan3A_81 : i32
      }
      scf.yield %cond3A_105 : i32
    }
    %scan3A_17 = arith.constant 768 : i32
    %add3A_18 = arith.constant 0 : i32
    %add3A_19 = vector.broadcast %add3A_18 : i32 to vector<16xi32>
    %add3A_20 = arith.addi %iota3A, %add3A_19 : vector<16xi32>
    %add3A_21 = vector.broadcast %mul3A_4 : i32 to vector<16xi32>
    %add3A_22 = arith.addi %add3A_21, %add3A_20 : vector<16xi32>
    tpu.vector_store_idx %arg7[%add3A_20, %add3A_22], %broadcast_in_dim3A_2 {add = true} : memref<32x2048xf32, #tpu.memory_space<vmem>>[vector<16xi32>, vector<16xi32>], vector<16xf32>,
    %add3A_23 = arith.constant 16 : i32
    %add3A_24 = vector.broadcast %add3A_23 : i32 to vector<16xi32>
    %add3A_25 = arith.addi %iota3A, %add3A_24 : vector<16xi32>
    %add3A_26 = vector.broadcast %mul3A_4 : i32 to vector<16xi32>
    %add3A_27 = arith.addi %add3A_26, %add3A_25 : vector<16xi32>
    tpu.vector_store_idx %arg7[%add3A_25, %add3A_27], %broadcast_in_dim3A_2 {add = true} : memref<32x2048xf32, #tpu.memory_space<vmem>>[vector<16xi32>, vector<16xi32>], vector<16xf32>,
    "tpu.region"() ({
      %run_scoped3A_80 = tpu.sem_alloc : memref<!tpu.dma_semaphore, #tpu.memory_space<semaphore_mem>>
      %dma_start3A = arith.constant 0 : i32
      %dma_start3A_81 = tpu.memref_slice %arg3[%mul3A_4, %dma_start3A] : memref<2048x2048xf32, #tpu.memory_space<hbm>> -> memref<32x2048xf32, #tpu.memory_space<hbm>>
      %dma_start3A_82 = arith.constant 0 : i32
      %dma_start3A_83 = tpu.memref_slice %arg3[%mul3A_4, %dma_start3A_82] : memref<2048x2048xf32, #tpu.memory_space<hbm>> -> memref<32x2048xf32, #tpu.memory_space<hbm>>
      tpu.enqueue_dma source(%arg7 : memref<32x2048xf32, #tpu.memory_space<vmem>>) target(%dma_start3A_83 : memref<32x2048xf32, #tpu.memory_space<hbm>>) target_semaphore(%run_scoped3A_80 : memref<!tpu.dma_semaphore, #tpu.memory_space<semaphore_mem>>)
      %dma_wait3A = arith.constant 0 : i32
      %dma_wait3A_84 = tpu.memref_slice %arg3[%mul3A_4, %dma_wait3A] : memref<2048x2048xf32, #tpu.memory_space<hbm>> -> memref<32x2048xf32, #tpu.memory_space<hbm>>
      %dma_wait3A_85 = arith.constant 0 : i32
      %dma_wait3A_86 = tpu.memref_slice %arg3[%mul3A_4, %dma_wait3A_85] : memref<2048x2048xf32, #tpu.memory_space<hbm>> -> memref<32x2048xf32, #tpu.memory_space<hbm>>
      tpu.wait_dma2 semaphore(%run_scoped3A_80 : memref<!tpu.dma_semaphore, #tpu.memory_space<semaphore_mem>>) src(%arg7 : memref<32x2048xf32, #tpu.memory_space<vmem>>) dst(%dma_wait3A_86 : memref<32x2048xf32, #tpu.memory_space<hbm>>)
      tpu.yield
    }) : () -> ()
    %scan3A_28 = arith.constant 0 : i32
    %scan3A_29 = arith.constant 0 : i32
    %scan3A_30 = arith.constant 4096 : i32
    %scan3A_31 = arith.addi %scan3A_29, %scan3A_30 : i32
    %scan3A_32 = arith.constant 8 : i32
    scf.for %scan3A_80 = %scan3A_29 to %scan3A_31 step %scan3A_32  : i32 {
      %broadcast_in_dim3A_81 = arith.constant 0.000000e+00 : f32
      %broadcast_in_dim3A_82 = vector.broadcast %broadcast_in_dim3A_81 : f32 to vector<16xf32>
      %shift_right_arithmetic3A = arith.constant 7 : i32
      %shift_right_arithmetic3A_83 = arith.shrsi %scan3A_80, %shift_right_arithmetic3A : i32
      %and3A_84 = arith.constant 127 : i32
      %and3A_85 = arith.andi %scan3A_80, %and3A_84 : i32
      %mul3A_86 = arith.constant 16 : i32
      %mul3A_87 = arith.muli %and3A_85, %mul3A_86 : i32
      %swap3A = arith.index_cast %shift_right_arithmetic3A_83 : i32 to index
      %swap3A_88 = arith.index_cast %mul3A_87 : i32 to index
      %swap3A_89 = tpu.vector_load %arg7[%swap3A, %swap3A_88] {strides = array<i32>} : memref<32x2048xf32, #tpu.memory_space<vmem>>, vector<16xf32>,
      tpu.vector_store %arg7[%swap3A, %swap3A_88], %broadcast_in_dim3A_82 {strides = array<i32>} : memref<32x2048xf32, #tpu.memory_space<vmem>>, vector<16xf32>,
      %scan3A_90 = arith.constant 1 : i32
      %scan3A_91 = arith.addi %scan3A_80, %scan3A_90 : i32
      %broadcast_in_dim3A_92 = arith.constant 0.000000e+00 : f32
      %broadcast_in_dim3A_93 = vector.broadcast %broadcast_in_dim3A_92 : f32 to vector<16xf32>
      %shift_right_arithmetic3A_94 = arith.constant 7 : i32
      %shift_right_arithmetic3A_95 = arith.shrsi %scan3A_91, %shift_right_arithmetic3A_94 : i32
      %and3A_96 = arith.constant 127 : i32
      %and3A_97 = arith.andi %scan3A_91, %and3A_96 : i32
      %mul3A_98 = arith.constant 16 : i32
      %mul3A_99 = arith.muli %and3A_97, %mul3A_98 : i32
      %swap3A_100 = arith.index_cast %shift_right_arithmetic3A_95 : i32 to index
      %swap3A_101 = arith.index_cast %mul3A_99 : i32 to index
      %swap3A_102 = tpu.vector_load %arg7[%swap3A_100, %swap3A_101] {strides = array<i32>} : memref<32x2048xf32, #tpu.memory_space<vmem>>, vector<16xf32>,
      tpu.vector_store %arg7[%swap3A_100, %swap3A_101], %broadcast_in_dim3A_93 {strides = array<i32>} : memref<32x2048xf32, #tpu.memory_space<vmem>>, vector<16xf32>,
      %scan3A_103 = arith.constant 2 : i32
      %scan3A_104 = arith.addi %scan3A_80, %scan3A_103 : i32
      %broadcast_in_dim3A_105 = arith.constant 0.000000e+00 : f32
      %broadcast_in_dim3A_106 = vector.broadcast %broadcast_in_dim3A_105 : f32 to vector<16xf32>
      %shift_right_arithmetic3A_107 = arith.constant 7 : i32
      %shift_right_arithmetic3A_108 = arith.shrsi %scan3A_104, %shift_right_arithmetic3A_107 : i32
      %and3A_109 = arith.constant 127 : i32
      %and3A_110 = arith.andi %scan3A_104, %and3A_109 : i32
      %mul3A_111 = arith.constant 16 : i32
      %mul3A_112 = arith.muli %and3A_110, %mul3A_111 : i32
      %swap3A_113 = arith.index_cast %shift_right_arithmetic3A_108 : i32 to index
      %swap3A_114 = arith.index_cast %mul3A_112 : i32 to index
      %swap3A_115 = tpu.vector_load %arg7[%swap3A_113, %swap3A_114] {strides = array<i32>} : memref<32x2048xf32, #tpu.memory_space<vmem>>, vector<16xf32>,
      tpu.vector_store %arg7[%swap3A_113, %swap3A_114], %broadcast_in_dim3A_106 {strides = array<i32>} : memref<32x2048xf32, #tpu.memory_space<vmem>>, vector<16xf32>,
      %scan3A_116 = arith.constant 3 : i32
      %scan3A_117 = arith.addi %scan3A_80, %scan3A_116 : i32
      %broadcast_in_dim3A_118 = arith.constant 0.000000e+00 : f32
      %broadcast_in_dim3A_119 = vector.broadcast %broadcast_in_dim3A_118 : f32 to vector<16xf32>
      %shift_right_arithmetic3A_120 = arith.constant 7 : i32
      %shift_right_arithmetic3A_121 = arith.shrsi %scan3A_117, %shift_right_arithmetic3A_120 : i32
      %and3A_122 = arith.constant 127 : i32
      %and3A_123 = arith.andi %scan3A_117, %and3A_122 : i32
      %mul3A_124 = arith.constant 16 : i32
      %mul3A_125 = arith.muli %and3A_123, %mul3A_124 : i32
      %swap3A_126 = arith.index_cast %shift_right_arithmetic3A_121 : i32 to index
      %swap3A_127 = arith.index_cast %mul3A_125 : i32 to index
      %swap3A_128 = tpu.vector_load %arg7[%swap3A_126, %swap3A_127] {strides = array<i32>} : memref<32x2048xf32, #tpu.memory_space<vmem>>, vector<16xf32>,
      tpu.vector_store %arg7[%swap3A_126, %swap3A_127], %broadcast_in_dim3A_119 {strides = array<i32>} : memref<32x2048xf32, #tpu.memory_space<vmem>>, vector<16xf32>,
      %scan3A_129 = arith.constant 4 : i32
      %scan3A_130 = arith.addi %scan3A_80, %scan3A_129 : i32
      %broadcast_in_dim3A_131 = arith.constant 0.000000e+00 : f32
      %broadcast_in_dim3A_132 = vector.broadcast %broadcast_in_dim3A_131 : f32 to vector<16xf32>
      %shift_right_arithmetic3A_133 = arith.constant 7 : i32
      %shift_right_arithmetic3A_134 = arith.shrsi %scan3A_130, %shift_right_arithmetic3A_133 : i32
      %and3A_135 = arith.constant 127 : i32
      %and3A_136 = arith.andi %scan3A_130, %and3A_135 : i32
      %mul3A_137 = arith.constant 16 : i32
      %mul3A_138 = arith.muli %and3A_136, %mul3A_137 : i32
      %swap3A_139 = arith.index_cast %shift_right_arithmetic3A_134 : i32 to index
      %swap3A_140 = arith.index_cast %mul3A_138 : i32 to index
      %swap3A_141 = tpu.vector_load %arg7[%swap3A_139, %swap3A_140] {strides = array<i32>} : memref<32x2048xf32, #tpu.memory_space<vmem>>, vector<16xf32>,
      tpu.vector_store %arg7[%swap3A_139, %swap3A_140], %broadcast_in_dim3A_132 {strides = array<i32>} : memref<32x2048xf32, #tpu.memory_space<vmem>>, vector<16xf32>,
      %scan3A_142 = arith.constant 5 : i32
      %scan3A_143 = arith.addi %scan3A_80, %scan3A_142 : i32
      %broadcast_in_dim3A_144 = arith.constant 0.000000e+00 : f32
      %broadcast_in_dim3A_145 = vector.broadcast %broadcast_in_dim3A_144 : f32 to vector<16xf32>
      %shift_right_arithmetic3A_146 = arith.constant 7 : i32
      %shift_right_arithmetic3A_147 = arith.shrsi %scan3A_143, %shift_right_arithmetic3A_146 : i32
      %and3A_148 = arith.constant 127 : i32
      %and3A_149 = arith.andi %scan3A_143, %and3A_148 : i32
      %mul3A_150 = arith.constant 16 : i32
      %mul3A_151 = arith.muli %and3A_149, %mul3A_150 : i32
      %swap3A_152 = arith.index_cast %shift_right_arithmetic3A_147 : i32 to index
      %swap3A_153 = arith.index_cast %mul3A_151 : i32 to index
      %swap3A_154 = tpu.vector_load %arg7[%swap3A_152, %swap3A_153] {strides = array<i32>} : memref<32x2048xf32, #tpu.memory_space<vmem>>, vector<16xf32>,
      tpu.vector_store %arg7[%swap3A_152, %swap3A_153], %broadcast_in_dim3A_145 {strides = array<i32>} : memref<32x2048xf32, #tpu.memory_space<vmem>>, vector<16xf32>,
      %scan3A_155 = arith.constant 6 : i32
      %scan3A_156 = arith.addi %scan3A_80, %scan3A_155 : i32
      %broadcast_in_dim3A_157 = arith.constant 0.000000e+00 : f32
      %broadcast_in_dim3A_158 = vector.broadcast %broadcast_in_dim3A_157 : f32 to vector<16xf32>
      %shift_right_arithmetic3A_159 = arith.constant 7 : i32
      %shift_right_arithmetic3A_160 = arith.shrsi %scan3A_156, %shift_right_arithmetic3A_159 : i32
      %and3A_161 = arith.constant 127 : i32
      %and3A_162 = arith.andi %scan3A_156, %and3A_161 : i32
      %mul3A_163 = arith.constant 16 : i32
      %mul3A_164 = arith.muli %and3A_162, %mul3A_163 : i32
      %swap3A_165 = arith.index_cast %shift_right_arithmetic3A_160 : i32 to index
      %swap3A_166 = arith.index_cast %mul3A_164 : i32 to index
      %swap3A_167 = tpu.vector_load %arg7[%swap3A_165, %swap3A_166] {strides = array<i32>} : memref<32x2048xf32, #tpu.memory_space<vmem>>, vector<16xf32>,
      tpu.vector_store %arg7[%swap3A_165, %swap3A_166], %broadcast_in_dim3A_158 {strides = array<i32>} : memref<32x2048xf32, #tpu.memory_space<vmem>>, vector<16xf32>,
      %scan3A_168 = arith.constant 7 : i32
      %scan3A_169 = arith.addi %scan3A_80, %scan3A_168 : i32
      %broadcast_in_dim3A_170 = arith.constant 0.000000e+00 : f32
      %broadcast_in_dim3A_171 = vector.broadcast %broadcast_in_dim3A_170 : f32 to vector<16xf32>
      %shift_right_arithmetic3A_172 = arith.constant 7 : i32
      %shift_right_arithmetic3A_173 = arith.shrsi %scan3A_169, %shift_right_arithmetic3A_172 : i32
      %and3A_174 = arith.constant 127 : i32
      %and3A_175 = arith.andi %scan3A_169, %and3A_174 : i32
      %mul3A_176 = arith.constant 16 : i32
      %mul3A_177 = arith.muli %and3A_175, %mul3A_176 : i32
      %swap3A_178 = arith.index_cast %shift_right_arithmetic3A_173 : i32 to index
      %swap3A_179 = arith.index_cast %mul3A_177 : i32 to index
      %swap3A_180 = tpu.vector_load %arg7[%swap3A_178, %swap3A_179] {strides = array<i32>} : memref<32x2048xf32, #tpu.memory_space<vmem>>, vector<16xf32>,
      tpu.vector_store %arg7[%swap3A_178, %swap3A_179], %broadcast_in_dim3A_171 {strides = array<i32>} : memref<32x2048xf32, #tpu.memory_space<vmem>>, vector<16xf32>,
    }
    %scan3A_33 = arith.constant 4096 : i32
    %add3A_34 = arith.constant 16 : i32
    %add3A_35 = arith.addi %scan3A_16, %add3A_34 : i32
    %sub3A = arith.constant 1 : i32
    %sub3A_36 = arith.subi %add3A_35, %sub3A : i32
    %jit3A = arith.constant 16 : i32
    %div3A = arith.divsi %sub3A_36, %jit3A : i32
    %sign3A = arith.constant 0 : i32
    %sign3A_37 = arith.cmpi sgt, %sub3A_36, %sign3A : i32
    %sign3A_38 = arith.extui %sign3A_37 : i1 to i32
    %sign3A_39 = arith.constant 0 : i32
    %sign3A_40 = arith.cmpi slt, %sub3A_36, %sign3A_39 : i32
    %sign3A_41 = arith.extui %sign3A_40 : i1 to i32
    %sign3A_42 = arith.subi %sign3A_38, %sign3A_41 : i32
    %sign3A_43 = arith.constant 0 : i32
    %sign3A_44 = arith.cmpi sgt, %jit3A, %sign3A_43 : i32
    %sign3A_45 = arith.extui %sign3A_44 : i1 to i32
    %sign3A_46 = arith.constant 0 : i32
    %sign3A_47 = arith.cmpi slt, %jit3A, %sign3A_46 : i32
    %sign3A_48 = arith.extui %sign3A_47 : i1 to i32
    %sign3A_49 = arith.subi %sign3A_45, %sign3A_48 : i32
    %ne3A = arith.cmpi ne, %sign3A_42, %sign3A_49 : i32
    %rem3A = arith.remsi %sub3A_36, %jit3A : i32
    %ne3A_50 = arith.constant 0 : i32
    %ne3A_51 = arith.cmpi ne, %rem3A, %ne3A_50 : i32
    %and3A = arith.andi %ne3A, %ne3A_51 : i1
    %sub3A_52 = arith.constant 1 : i32
    %sub3A_53 = arith.subi %div3A, %sub3A_52 : i32
    %select_n3A = arith.select %and3A, %sub3A_53, %div3A : i32
    %while3A = arith.constant 0 : i32
    %while3A_54 = arith.constant 2147483647 : i32
    %while3A_55 = arith.constant 0 : i32
    %while3A_56 = arith.subi %select_n3A, %while3A_55 : i32
    %while3A_57 = arith.addi %while3A_55, %while3A_56 : i32
    %while3A_58 = arith.constant 1 : i32
    %while3A_59 = arith.divsi %while3A_56, %while3A_58 : i32
    %while3A_60 = arith.muli %while3A_59, %while3A_58 : i32
    %while3A_61 = arith.addi %while3A_55, %while3A_60 : i32
    %while3A_62 = arith.constant 1 : i32
    scf.for %while3A_80 = %while3A_55 to %while3A_61 step %while3A_62  : i32 {
      %mul3A_81 = arith.constant 16 : i32
      %mul3A_82 = arith.muli %while3A_80, %mul3A_81 : i32
      %sub3A_83 = arith.subi %scan3A_16, %mul3A_82 : i32
      %lt3A = vector.broadcast %sub3A_83 : i32 to vector<16xi32>
      %lt3A_84 = arith.cmpi slt, %iota3A, %lt3A : vector<16xi32>
      %mul3A_85 = arith.constant 16 : i32
      %mul3A_86 = arith.muli %while3A_80, %mul3A_85 : i32
      %get3A = arith.index_cast %mul3A_86 : i32 to index
      %get3A_87 = tpu.vector_load %arg6[%get3A] {strides = array<i32>} : memref<12304xi32, #tpu.memory_space<vmem>>, vector<16xi32>,
      %broadcast_in_dim3A_88 = vector.broadcast %while3A_54 : i32 to vector<16xi32>
      %select_n3A_89 = arith.select %lt3A_84, %get3A_87, %broadcast_in_dim3A_88 : vector<16xi1>, vector<16xi32>
      %sort3A = arith.constant dense<true> : vector<16xi1>
      %sort3A_90, %sort3A_91, %sort3A_92 = tpu.sort %select_n3A_89, %select_n3A_89 masked %sort3A : (vector<16xi32>, vector<16xi32>, vector<16xi1>) -> (vector<16xi1>, vector<16xi32>, vector<16xi32>)
      %shift_right_logical3A = arith.constant 5 : i32
      %shift_right_logical3A_93 = vector.broadcast %shift_right_logical3A : i32 to vector<16xi32>
      %shift_right_logical3A_94 = arith.shrui %sort3A_91, %shift_right_logical3A_93 : vector<16xi32>
      %and3A_95 = arith.constant 31 : i32
      %and3A_96 = vector.broadcast %and3A_95 : i32 to vector<16xi32>
      %and3A_97 = arith.andi %sort3A_91, %and3A_96 : vector<16xi32>
      %sub3A_98 = arith.constant 1 : i32
      %sub3A_99 = vector.broadcast %sub3A_98 : i32 to vector<16xi32>
      %sub3A_100 = arith.subi %iota3A, %sub3A_99 : vector<16xi32>
      %max3A = arith.constant 0 : i32
      %max3A_101 = vector.broadcast %max3A : i32 to vector<16xi32>
      %max3A_102 = arith.maxsi %sub3A_100, %max3A_101 : vector<16xi32>
      %lt3A_103 = arith.constant 0 : i32
      %lt3A_104 = vector.broadcast %lt3A_103 : i32 to vector<16xi32>
      %lt3A_105 = arith.cmpi slt, %max3A_102, %lt3A_104 : vector<16xi32>
      %add3A_106 = arith.constant 16 : i32
      %add3A_107 = vector.broadcast %add3A_106 : i32 to vector<16xi32>
      %add3A_108 = arith.addi %max3A_102, %add3A_107 : vector<16xi32>
      %select_n3A_109 = arith.select %lt3A_105, %add3A_108, %max3A_102 : vector<16xi1>, vector<16xi32>
      %broadcast_in_dim3A_110 = vector.shape_cast %select_n3A_109 : vector<16xi32> to vector<16x1xi32>
      %gather3A = vector.shape_cast %broadcast_in_dim3A_110 : vector<16x1xi32> to vector<16xi32>
      %gather3A_111 = tpu.dynamic_gather %shift_right_logical3A_94[%gather3A] in [0] : vector<16xi32>, vector<16xi32> -> vector<16xi32>
      %add3A_112 = arith.constant 1 : i32
      %add3A_113 = vector.broadcast %add3A_112 : i32 to vector<16xi32>
      %add3A_114 = arith.addi %iota3A, %add3A_113 : vector<16xi32>
      %min3A = arith.constant 15 : i32
      %min3A_115 = vector.broadcast %min3A : i32 to vector<16xi32>
      %min3A_116 = arith.minsi %add3A_114, %min3A_115 : vector<16xi32>
      %lt3A_117 = arith.constant 0 : i32
      %lt3A_118 = vector.broadcast %lt3A_117 : i32 to vector<16xi32>
      %lt3A_119 = arith.cmpi slt, %min3A_116, %lt3A_118 : vector<16xi32>
      %add3A_120 = arith.constant 16 : i32
      %add3A_121 = vector.broadcast %add3A_120 : i32 to vector<16xi32>
      %add3A_122 = arith.addi %min3A_116, %add3A_121 : vector<16xi32>
      %select_n3A_123 = arith.select %lt3A_119, %add3A_122, %min3A_116 : vector<16xi1>, vector<16xi32>
      %broadcast_in_dim3A_124 = vector.shape_cast %select_n3A_123 : vector<16xi32> to vector<16x1xi32>
      %gather3A_125 = vector.shape_cast %broadcast_in_dim3A_124 : vector<16x1xi32> to vector<16xi32>
      %gather3A_126 = tpu.dynamic_gather %shift_right_logical3A_94[%gather3A_125] in [0] : vector<16xi32>, vector<16xi32> -> vector<16xi32>
      %ne3A_127 = arith.cmpi ne, %shift_right_logical3A_94, %gather3A_111 : vector<16xi32>
      %eq3A = arith.constant 0 : i32
      %eq3A_128 = vector.broadcast %eq3A : i32 to vector<16xi32>
      %eq3A_129 = arith.cmpi eq, %iota3A, %eq3A_128 : vector<16xi32>
      %or3A = arith.ori %ne3A_127, %eq3A_129 : vector<16xi1>
      %ne3A_130 = arith.cmpi ne, %shift_right_logical3A_94, %gather3A_126 : vector<16xi32>
      %eq3A_131 = arith.constant 15 : i32
      %eq3A_132 = vector.broadcast %eq3A_131 : i32 to vector<16xi32>
      %eq3A_133 = arith.cmpi eq, %iota3A, %eq3A_132 : vector<16xi32>
      %or3A_134 = arith.ori %ne3A_130, %eq3A_133 : vector<16xi1>
      %sub3A_135 = arith.constant 1 : i32
      %sub3A_136 = vector.broadcast %sub3A_135 : i32 to vector<16xi32>
      %sub3A_137 = arith.subi %iota3A, %sub3A_136 : vector<16xi32>
      %max3A_138 = arith.constant 0 : i32
      %max3A_139 = vector.broadcast %max3A_138 : i32 to vector<16xi32>
      %max3A_140 = arith.maxsi %sub3A_137, %max3A_139 : vector<16xi32>
      %lt3A_141 = arith.constant 0 : i32
      %lt3A_142 = vector.broadcast %lt3A_141 : i32 to vector<16xi32>
      %lt3A_143 = arith.cmpi slt, %max3A_140, %lt3A_142 : vector<16xi32>
      %add3A_144 = arith.constant 16 : i32
      %add3A_145 = vector.broadcast %add3A_144 : i32 to vector<16xi32>
      %add3A_146 = arith.addi %max3A_140, %add3A_145 : vector<16xi32>
      %select_n3A_147 = arith.select %lt3A_143, %add3A_146, %max3A_140 : vector<16xi1>, vector<16xi32>
      %broadcast_in_dim3A_148 = vector.shape_cast %select_n3A_147 : vector<16xi32> to vector<16x1xi32>
      %gather3A_149 = vector.shape_cast %broadcast_in_dim3A_148 : vector<16x1xi32> to vector<16xi32>
      %gather3A_150 = tpu.dynamic_gather %and3A_97[%gather3A_149] in [0] : vector<16xi32>, vector<16xi32> -> vector<16xi32>
      %ge3A = arith.constant 1 : i32
      %ge3A_151 = vector.broadcast %ge3A : i32 to vector<16xi32>
      %ge3A_152 = arith.cmpi sge, %iota3A, %ge3A_151 : vector<16xi32>
      %jit3A_153 = arith.constant 0 : i32
      %broadcast_in_dim3A_154 = vector.broadcast %jit3A_153 : i32 to vector<16xi32>
      %select_n3A_155 = arith.select %ge3A_152, %gather3A_150, %broadcast_in_dim3A_154 : vector<16xi1>, vector<16xi32>
      %add3A_156 = arith.addi %and3A_97, %select_n3A_155 : vector<16xi32>
      %sub3A_157 = arith.constant 2 : i32
      %sub3A_158 = vector.broadcast %sub3A_157 : i32 to vector<16xi32>
      %sub3A_159 = arith.subi %iota3A, %sub3A_158 : vector<16xi32>
      %max3A_160 = arith.constant 0 : i32
      %max3A_161 = vector.broadcast %max3A_160 : i32 to vector<16xi32>
      %max3A_162 = arith.maxsi %sub3A_159, %max3A_161 : vector<16xi32>
      %lt3A_163 = arith.constant 0 : i32
      %lt3A_164 = vector.broadcast %lt3A_163 : i32 to vector<16xi32>
      %lt3A_165 = arith.cmpi slt, %max3A_162, %lt3A_164 : vector<16xi32>
      %add3A_166 = arith.constant 16 : i32
      %add3A_167 = vector.broadcast %add3A_166 : i32 to vector<16xi32>
      %add3A_168 = arith.addi %max3A_162, %add3A_167 : vector<16xi32>
      %select_n3A_169 = arith.select %lt3A_165, %add3A_168, %max3A_162 : vector<16xi1>, vector<16xi32>
      %broadcast_in_dim3A_170 = vector.shape_cast %select_n3A_169 : vector<16xi32> to vector<16x1xi32>
      %gather3A_171 = vector.shape_cast %broadcast_in_dim3A_170 : vector<16x1xi32> to vector<16xi32>
      %gather3A_172 = tpu.dynamic_gather %add3A_156[%gather3A_171] in [0] : vector<16xi32>, vector<16xi32> -> vector<16xi32>
      %ge3A_173 = arith.constant 2 : i32
      %ge3A_174 = vector.broadcast %ge3A_173 : i32 to vector<16xi32>
      %ge3A_175 = arith.cmpi sge, %iota3A, %ge3A_174 : vector<16xi32>
      %jit3A_176 = arith.constant 0 : i32
      %broadcast_in_dim3A_177 = vector.broadcast %jit3A_176 : i32 to vector<16xi32>
      %select_n3A_178 = arith.select %ge3A_175, %gather3A_172, %broadcast_in_dim3A_177 : vector<16xi1>, vector<16xi32>
      %add3A_179 = arith.addi %add3A_156, %select_n3A_178 : vector<16xi32>
      %sub3A_180 = arith.constant 4 : i32
      %sub3A_181 = vector.broadcast %sub3A_180 : i32 to vector<16xi32>
      %sub3A_182 = arith.subi %iota3A, %sub3A_181 : vector<16xi32>
      %max3A_183 = arith.constant 0 : i32
      %max3A_184 = vector.broadcast %max3A_183 : i32 to vector<16xi32>
      %max3A_185 = arith.maxsi %sub3A_182, %max3A_184 : vector<16xi32>
      %lt3A_186 = arith.constant 0 : i32
      %lt3A_187 = vector.broadcast %lt3A_186 : i32 to vector<16xi32>
      %lt3A_188 = arith.cmpi slt, %max3A_185, %lt3A_187 : vector<16xi32>
      %add3A_189 = arith.constant 16 : i32
      %add3A_190 = vector.broadcast %add3A_189 : i32 to vector<16xi32>
      %add3A_191 = arith.addi %max3A_185, %add3A_190 : vector<16xi32>
      %select_n3A_192 = arith.select %lt3A_188, %add3A_191, %max3A_185 : vector<16xi1>, vector<16xi32>
      %broadcast_in_dim3A_193 = vector.shape_cast %select_n3A_192 : vector<16xi32> to vector<16x1xi32>
      %gather3A_194 = vector.shape_cast %broadcast_in_dim3A_193 : vector<16x1xi32> to vector<16xi32>
      %gather3A_195 = tpu.dynamic_gather %add3A_179[%gather3A_194] in [0] : vector<16xi32>, vector<16xi32> -> vector<16xi32>
      %ge3A_196 = arith.constant 4 : i32
      %ge3A_197 = vector.broadcast %ge3A_196 : i32 to vector<16xi32>
      %ge3A_198 = arith.cmpi sge, %iota3A, %ge3A_197 : vector<16xi32>
      %jit3A_199 = arith.constant 0 : i32
      %broadcast_in_dim3A_200 = vector.broadcast %jit3A_199 : i32 to vector<16xi32>
      %select_n3A_201 = arith.select %ge3A_198, %gather3A_195, %broadcast_in_dim3A_200 : vector<16xi1>, vector<16xi32>
      %add3A_202 = arith.addi %add3A_179, %select_n3A_201 : vector<16xi32>
      %sub3A_203 = arith.constant 8 : i32
      %sub3A_204 = vector.broadcast %sub3A_203 : i32 to vector<16xi32>
      %sub3A_205 = arith.subi %iota3A, %sub3A_204 : vector<16xi32>
      %max3A_206 = arith.constant 0 : i32
      %max3A_207 = vector.broadcast %max3A_206 : i32 to vector<16xi32>
      %max3A_208 = arith.maxsi %sub3A_205, %max3A_207 : vector<16xi32>
      %lt3A_209 = arith.constant 0 : i32
      %lt3A_210 = vector.broadcast %lt3A_209 : i32 to vector<16xi32>
      %lt3A_211 = arith.cmpi slt, %max3A_208, %lt3A_210 : vector<16xi32>
      %add3A_212 = arith.constant 16 : i32
      %add3A_213 = vector.broadcast %add3A_212 : i32 to vector<16xi32>
      %add3A_214 = arith.addi %max3A_208, %add3A_213 : vector<16xi32>
      %select_n3A_215 = arith.select %lt3A_211, %add3A_214, %max3A_208 : vector<16xi1>, vector<16xi32>
      %broadcast_in_dim3A_216 = vector.shape_cast %select_n3A_215 : vector<16xi32> to vector<16x1xi32>
      %gather3A_217 = vector.shape_cast %broadcast_in_dim3A_216 : vector<16x1xi32> to vector<16xi32>
      %gather3A_218 = tpu.dynamic_gather %add3A_202[%gather3A_217] in [0] : vector<16xi32>, vector<16xi32> -> vector<16xi32>
      %ge3A_219 = arith.constant 8 : i32
      %ge3A_220 = vector.broadcast %ge3A_219 : i32 to vector<16xi32>
      %ge3A_221 = arith.cmpi sge, %iota3A, %ge3A_220 : vector<16xi32>
      %jit3A_222 = arith.constant 0 : i32
      %broadcast_in_dim3A_223 = vector.broadcast %jit3A_222 : i32 to vector<16xi32>
      %select_n3A_224 = arith.select %ge3A_221, %gather3A_218, %broadcast_in_dim3A_223 : vector<16xi1>, vector<16xi32>
      %add3A_225 = arith.addi %add3A_202, %select_n3A_224 : vector<16xi32>
      %jit3A_226 = arith.constant 0 : i32
      %broadcast_in_dim3A_227 = vector.broadcast %jit3A_226 : i32 to vector<16xi32>
      %select_n3A_228 = arith.select %or3A, %iota3A, %broadcast_in_dim3A_227 : vector<16xi1>, vector<16xi32>
      %sub3A_229 = arith.constant 1 : i32
      %sub3A_230 = vector.broadcast %sub3A_229 : i32 to vector<16xi32>
      %sub3A_231 = arith.subi %iota3A, %sub3A_230 : vector<16xi32>
      %max3A_232 = arith.constant 0 : i32
      %max3A_233 = vector.broadcast %max3A_232 : i32 to vector<16xi32>
      %max3A_234 = arith.maxsi %sub3A_231, %max3A_233 : vector<16xi32>
      %lt3A_235 = arith.constant 0 : i32
      %lt3A_236 = vector.broadcast %lt3A_235 : i32 to vector<16xi32>
      %lt3A_237 = arith.cmpi slt, %max3A_234, %lt3A_236 : vector<16xi32>
      %add3A_238 = arith.constant 16 : i32
      %add3A_239 = vector.broadcast %add3A_238 : i32 to vector<16xi32>
      %add3A_240 = arith.addi %max3A_234, %add3A_239 : vector<16xi32>
      %select_n3A_241 = arith.select %lt3A_237, %add3A_240, %max3A_234 : vector<16xi1>, vector<16xi32>
      %broadcast_in_dim3A_242 = vector.shape_cast %select_n3A_241 : vector<16xi32> to vector<16x1xi32>
      %gather3A_243 = vector.shape_cast %broadcast_in_dim3A_242 : vector<16x1xi32> to vector<16xi32>
      %gather3A_244 = tpu.dynamic_gather %select_n3A_228[%gather3A_243] in [0] : vector<16xi32>, vector<16xi32> -> vector<16xi32>
      %ge3A_245 = arith.constant 1 : i32
      %ge3A_246 = vector.broadcast %ge3A_245 : i32 to vector<16xi32>
      %ge3A_247 = arith.cmpi sge, %iota3A, %ge3A_246 : vector<16xi32>
      %jit3A_248 = arith.constant 0 : i32
      %broadcast_in_dim3A_249 = vector.broadcast %jit3A_248 : i32 to vector<16xi32>
      %select_n3A_250 = arith.select %ge3A_247, %gather3A_244, %broadcast_in_dim3A_249 : vector<16xi1>, vector<16xi32>
      %max3A_251 = arith.maxsi %select_n3A_228, %select_n3A_250 : vector<16xi32>
      %sub3A_252 = arith.constant 2 : i32
      %sub3A_253 = vector.broadcast %sub3A_252 : i32 to vector<16xi32>
      %sub3A_254 = arith.subi %iota3A, %sub3A_253 : vector<16xi32>
      %max3A_255 = arith.constant 0 : i32
      %max3A_256 = vector.broadcast %max3A_255 : i32 to vector<16xi32>
      %max3A_257 = arith.maxsi %sub3A_254, %max3A_256 : vector<16xi32>
      %lt3A_258 = arith.constant 0 : i32
      %lt3A_259 = vector.broadcast %lt3A_258 : i32 to vector<16xi32>
      %lt3A_260 = arith.cmpi slt, %max3A_257, %lt3A_259 : vector<16xi32>
      %add3A_261 = arith.constant 16 : i32
      %add3A_262 = vector.broadcast %add3A_261 : i32 to vector<16xi32>
      %add3A_263 = arith.addi %max3A_257, %add3A_262 : vector<16xi32>
      %select_n3A_264 = arith.select %lt3A_260, %add3A_263, %max3A_257 : vector<16xi1>, vector<16xi32>
      %broadcast_in_dim3A_265 = vector.shape_cast %select_n3A_264 : vector<16xi32> to vector<16x1xi32>
      %gather3A_266 = vector.shape_cast %broadcast_in_dim3A_265 : vector<16x1xi32> to vector<16xi32>
      %gather3A_267 = tpu.dynamic_gather %max3A_251[%gather3A_266] in [0] : vector<16xi32>, vector<16xi32> -> vector<16xi32>
      %ge3A_268 = arith.constant 2 : i32
      %ge3A_269 = vector.broadcast %ge3A_268 : i32 to vector<16xi32>
      %ge3A_270 = arith.cmpi sge, %iota3A, %ge3A_269 : vector<16xi32>
      %jit3A_271 = arith.constant 0 : i32
      %broadcast_in_dim3A_272 = vector.broadcast %jit3A_271 : i32 to vector<16xi32>
      %select_n3A_273 = arith.select %ge3A_270, %gather3A_267, %broadcast_in_dim3A_272 : vector<16xi1>, vector<16xi32>
      %max3A_274 = arith.maxsi %max3A_251, %select_n3A_273 : vector<16xi32>
      %sub3A_275 = arith.constant 4 : i32
      %sub3A_276 = vector.broadcast %sub3A_275 : i32 to vector<16xi32>
      %sub3A_277 = arith.subi %iota3A, %sub3A_276 : vector<16xi32>
      %max3A_278 = arith.constant 0 : i32
      %max3A_279 = vector.broadcast %max3A_278 : i32 to vector<16xi32>
      %max3A_280 = arith.maxsi %sub3A_277, %max3A_279 : vector<16xi32>
      %lt3A_281 = arith.constant 0 : i32
      %lt3A_282 = vector.broadcast %lt3A_281 : i32 to vector<16xi32>
      %lt3A_283 = arith.cmpi slt, %max3A_280, %lt3A_282 : vector<16xi32>
      %add3A_284 = arith.constant 16 : i32
      %add3A_285 = vector.broadcast %add3A_284 : i32 to vector<16xi32>
      %add3A_286 = arith.addi %max3A_280, %add3A_285 : vector<16xi32>
      %select_n3A_287 = arith.select %lt3A_283, %add3A_286, %max3A_280 : vector<16xi1>, vector<16xi32>
      %broadcast_in_dim3A_288 = vector.shape_cast %select_n3A_287 : vector<16xi32> to vector<16x1xi32>
      %gather3A_289 = vector.shape_cast %broadcast_in_dim3A_288 : vector<16x1xi32> to vector<16xi32>
      %gather3A_290 = tpu.dynamic_gather %max3A_274[%gather3A_289] in [0] : vector<16xi32>, vector<16xi32> -> vector<16xi32>
      %ge3A_291 = arith.constant 4 : i32
      %ge3A_292 = vector.broadcast %ge3A_291 : i32 to vector<16xi32>
      %ge3A_293 = arith.cmpi sge, %iota3A, %ge3A_292 : vector<16xi32>
      %jit3A_294 = arith.constant 0 : i32
      %broadcast_in_dim3A_295 = vector.broadcast %jit3A_294 : i32 to vector<16xi32>
      %select_n3A_296 = arith.select %ge3A_293, %gather3A_290, %broadcast_in_dim3A_295 : vector<16xi1>, vector<16xi32>
      %max3A_297 = arith.maxsi %max3A_274, %select_n3A_296 : vector<16xi32>
      %sub3A_298 = arith.constant 8 : i32
      %sub3A_299 = vector.broadcast %sub3A_298 : i32 to vector<16xi32>
      %sub3A_300 = arith.subi %iota3A, %sub3A_299 : vector<16xi32>
      %max3A_301 = arith.constant 0 : i32
      %max3A_302 = vector.broadcast %max3A_301 : i32 to vector<16xi32>
      %max3A_303 = arith.maxsi %sub3A_300, %max3A_302 : vector<16xi32>
      %lt3A_304 = arith.constant 0 : i32
      %lt3A_305 = vector.broadcast %lt3A_304 : i32 to vector<16xi32>
      %lt3A_306 = arith.cmpi slt, %max3A_303, %lt3A_305 : vector<16xi32>
      %add3A_307 = arith.constant 16 : i32
      %add3A_308 = vector.broadcast %add3A_307 : i32 to vector<16xi32>
      %add3A_309 = arith.addi %max3A_303, %add3A_308 : vector<16xi32>
      %select_n3A_310 = arith.select %lt3A_306, %add3A_309, %max3A_303 : vector<16xi1>, vector<16xi32>
      %broadcast_in_dim3A_311 = vector.shape_cast %select_n3A_310 : vector<16xi32> to vector<16x1xi32>
      %gather3A_312 = vector.shape_cast %broadcast_in_dim3A_311 : vector<16x1xi32> to vector<16xi32>
      %gather3A_313 = tpu.dynamic_gather %max3A_297[%gather3A_312] in [0] : vector<16xi32>, vector<16xi32> -> vector<16xi32>
      %ge3A_314 = arith.constant 8 : i32
      %ge3A_315 = vector.broadcast %ge3A_314 : i32 to vector<16xi32>
      %ge3A_316 = arith.cmpi sge, %iota3A, %ge3A_315 : vector<16xi32>
      %jit3A_317 = arith.constant 0 : i32
      %broadcast_in_dim3A_318 = vector.broadcast %jit3A_317 : i32 to vector<16xi32>
      %select_n3A_319 = arith.select %ge3A_316, %gather3A_313, %broadcast_in_dim3A_318 : vector<16xi1>, vector<16xi32>
      %max3A_320 = arith.maxsi %max3A_297, %select_n3A_319 : vector<16xi32>
      %sub3A_321 = arith.constant 1 : i32
      %sub3A_322 = vector.broadcast %sub3A_321 : i32 to vector<16xi32>
      %sub3A_323 = arith.subi %max3A_320, %sub3A_322 : vector<16xi32>
      %max3A_324 = arith.constant 0 : i32
      %max3A_325 = vector.broadcast %max3A_324 : i32 to vector<16xi32>
      %max3A_326 = arith.maxsi %sub3A_323, %max3A_325 : vector<16xi32>
      %lt3A_327 = arith.constant 0 : i32
      %lt3A_328 = vector.broadcast %lt3A_327 : i32 to vector<16xi32>
      %lt3A_329 = arith.cmpi slt, %max3A_326, %lt3A_328 : vector<16xi32>
      %add3A_330 = arith.constant 16 : i32
      %add3A_331 = vector.broadcast %add3A_330 : i32 to vector<16xi32>
      %add3A_332 = arith.addi %max3A_326, %add3A_331 : vector<16xi32>
      %select_n3A_333 = arith.select %lt3A_329, %add3A_332, %max3A_326 : vector<16xi1>, vector<16xi32>
      %broadcast_in_dim3A_334 = vector.shape_cast %select_n3A_333 : vector<16xi32> to vector<16x1xi32>
      %gather3A_335 = vector.shape_cast %broadcast_in_dim3A_334 : vector<16x1xi32> to vector<16xi32>
      %gather3A_336 = tpu.dynamic_gather %add3A_225[%gather3A_335] in [0] : vector<16xi32>, vector<16xi32> -> vector<16xi32>
      %gt3A = arith.constant 0 : i32
      %gt3A_337 = vector.broadcast %gt3A : i32 to vector<16xi32>
      %gt3A_338 = arith.cmpi sgt, %max3A_320, %gt3A_337 : vector<16xi32>
      %jit3A_339 = arith.constant 0 : i32
      %broadcast_in_dim3A_340 = vector.broadcast %jit3A_339 : i32 to vector<16xi32>
      %select_n3A_341 = arith.select %gt3A_338, %gather3A_336, %broadcast_in_dim3A_340 : vector<16xi1>, vector<16xi32>
      %sub3A_342 = arith.subi %add3A_225, %select_n3A_341 : vector<16xi32>
      %lt3A_343 = arith.constant 65536 : i32
      %lt3A_344 = vector.broadcast %lt3A_343 : i32 to vector<16xi32>
      %lt3A_345 = arith.cmpi slt, %shift_right_logical3A_94, %lt3A_344 : vector<16xi32>
      %and3A_346 = arith.andi %or3A_134, %lt3A_345 : vector<16xi1>
      %shift_right_logical3A_347 = arith.constant 11 : i32
      %shift_right_logical3A_348 = vector.broadcast %shift_right_logical3A_347 : i32 to vector<16xi32>
      %shift_right_logical3A_349 = arith.shrui %shift_right_logical3A_94, %shift_right_logical3A_348 : vector<16xi32>
      %jit3A_350 = arith.constant 0 : i32
      %broadcast_in_dim3A_351 = vector.broadcast %jit3A_350 : i32 to vector<16xi32>
      %select_n3A_352 = arith.select %and3A_346, %shift_right_logical3A_349, %broadcast_in_dim3A_351 : vector<16xi1>, vector<16xi32>
      %and3A_353 = arith.constant 2047 : i32
      %and3A_354 = vector.broadcast %and3A_353 : i32 to vector<16xi32>
      %and3A_355 = arith.andi %shift_right_logical3A_94, %and3A_354 : vector<16xi32>
      %jit3A_356 = arith.constant 0 : i32
      %broadcast_in_dim3A_357 = vector.broadcast %jit3A_356 : i32 to vector<16xi32>
      %select_n3A_358 = arith.select %and3A_346, %and3A_355, %broadcast_in_dim3A_357 : vector<16xi1>, vector<16xi32>
      %convert_element_type3A = arith.sitofp %sub3A_342 : vector<16xi32> to vector<16xf32>
      tpu.vector_store_idx %arg7[%select_n3A_352, %select_n3A_358], %convert_element_type3A masked %and3A_346 {add = true} : memref<32x2048xf32, #tpu.memory_space<vmem>>[vector<16xi32>, vector<16xi32>], vector<16xf32>, vector<16xi1>
    }
    %while3A_63 = arith.constant 1 : i32
    scf.for %while3A_80 = %while3A_61 to %while3A_57 step %while3A_63  : i32 {
      %mul3A_81 = arith.constant 16 : i32
      %mul3A_82 = arith.muli %while3A_80, %mul3A_81 : i32
      %sub3A_83 = arith.subi %scan3A_16, %mul3A_82 : i32
      %lt3A = vector.broadcast %sub3A_83 : i32 to vector<16xi32>
      %lt3A_84 = arith.cmpi slt, %iota3A, %lt3A : vector<16xi32>
      %mul3A_85 = arith.constant 16 : i32
      %mul3A_86 = arith.muli %while3A_80, %mul3A_85 : i32
      %get3A = arith.index_cast %mul3A_86 : i32 to index
      %get3A_87 = tpu.vector_load %arg6[%get3A] {strides = array<i32>} : memref<12304xi32, #tpu.memory_space<vmem>>, vector<16xi32>,
      %broadcast_in_dim3A_88 = vector.broadcast %while3A_54 : i32 to vector<16xi32>
      %select_n3A_89 = arith.select %lt3A_84, %get3A_87, %broadcast_in_dim3A_88 : vector<16xi1>, vector<16xi32>
      %sort3A = arith.constant dense<true> : vector<16xi1>
      %sort3A_90, %sort3A_91, %sort3A_92 = tpu.sort %select_n3A_89, %select_n3A_89 masked %sort3A : (vector<16xi32>, vector<16xi32>, vector<16xi1>) -> (vector<16xi1>, vector<16xi32>, vector<16xi32>)
      %shift_right_logical3A = arith.constant 5 : i32
      %shift_right_logical3A_93 = vector.broadcast %shift_right_logical3A : i32 to vector<16xi32>
      %shift_right_logical3A_94 = arith.shrui %sort3A_91, %shift_right_logical3A_93 : vector<16xi32>
      %and3A_95 = arith.constant 31 : i32
      %and3A_96 = vector.broadcast %and3A_95 : i32 to vector<16xi32>
      %and3A_97 = arith.andi %sort3A_91, %and3A_96 : vector<16xi32>
      %sub3A_98 = arith.constant 1 : i32
      %sub3A_99 = vector.broadcast %sub3A_98 : i32 to vector<16xi32>
      %sub3A_100 = arith.subi %iota3A, %sub3A_99 : vector<16xi32>
      %max3A = arith.constant 0 : i32
      %max3A_101 = vector.broadcast %max3A : i32 to vector<16xi32>
      %max3A_102 = arith.maxsi %sub3A_100, %max3A_101 : vector<16xi32>
      %lt3A_103 = arith.constant 0 : i32
      %lt3A_104 = vector.broadcast %lt3A_103 : i32 to vector<16xi32>
      %lt3A_105 = arith.cmpi slt, %max3A_102, %lt3A_104 : vector<16xi32>
      %add3A_106 = arith.constant 16 : i32
      %add3A_107 = vector.broadcast %add3A_106 : i32 to vector<16xi32>
      %add3A_108 = arith.addi %max3A_102, %add3A_107 : vector<16xi32>
      %select_n3A_109 = arith.select %lt3A_105, %add3A_108, %max3A_102 : vector<16xi1>, vector<16xi32>
      %broadcast_in_dim3A_110 = vector.shape_cast %select_n3A_109 : vector<16xi32> to vector<16x1xi32>
      %gather3A = vector.shape_cast %broadcast_in_dim3A_110 : vector<16x1xi32> to vector<16xi32>
      %gather3A_111 = tpu.dynamic_gather %shift_right_logical3A_94[%gather3A] in [0] : vector<16xi32>, vector<16xi32> -> vector<16xi32>
      %add3A_112 = arith.constant 1 : i32
      %add3A_113 = vector.broadcast %add3A_112 : i32 to vector<16xi32>
      %add3A_114 = arith.addi %iota3A, %add3A_113 : vector<16xi32>
      %min3A = arith.constant 15 : i32
      %min3A_115 = vector.broadcast %min3A : i32 to vector<16xi32>
      %min3A_116 = arith.minsi %add3A_114, %min3A_115 : vector<16xi32>
      %lt3A_117 = arith.constant 0 : i32
      %lt3A_118 = vector.broadcast %lt3A_117 : i32 to vector<16xi32>
      %lt3A_119 = arith.cmpi slt, %min3A_116, %lt3A_118 : vector<16xi32>
      %add3A_120 = arith.constant 16 : i32
      %add3A_121 = vector.broadcast %add3A_120 : i32 to vector<16xi32>
      %add3A_122 = arith.addi %min3A_116, %add3A_121 : vector<16xi32>
      %select_n3A_123 = arith.select %lt3A_119, %add3A_122, %min3A_116 : vector<16xi1>, vector<16xi32>
      %broadcast_in_dim3A_124 = vector.shape_cast %select_n3A_123 : vector<16xi32> to vector<16x1xi32>
      %gather3A_125 = vector.shape_cast %broadcast_in_dim3A_124 : vector<16x1xi32> to vector<16xi32>
      %gather3A_126 = tpu.dynamic_gather %shift_right_logical3A_94[%gather3A_125] in [0] : vector<16xi32>, vector<16xi32> -> vector<16xi32>
      %ne3A_127 = arith.cmpi ne, %shift_right_logical3A_94, %gather3A_111 : vector<16xi32>
      %eq3A = arith.constant 0 : i32
      %eq3A_128 = vector.broadcast %eq3A : i32 to vector<16xi32>
      %eq3A_129 = arith.cmpi eq, %iota3A, %eq3A_128 : vector<16xi32>
      %or3A = arith.ori %ne3A_127, %eq3A_129 : vector<16xi1>
      %ne3A_130 = arith.cmpi ne, %shift_right_logical3A_94, %gather3A_126 : vector<16xi32>
      %eq3A_131 = arith.constant 15 : i32
      %eq3A_132 = vector.broadcast %eq3A_131 : i32 to vector<16xi32>
      %eq3A_133 = arith.cmpi eq, %iota3A, %eq3A_132 : vector<16xi32>
      %or3A_134 = arith.ori %ne3A_130, %eq3A_133 : vector<16xi1>
      %sub3A_135 = arith.constant 1 : i32
      %sub3A_136 = vector.broadcast %sub3A_135 : i32 to vector<16xi32>
      %sub3A_137 = arith.subi %iota3A, %sub3A_136 : vector<16xi32>
      %max3A_138 = arith.constant 0 : i32
      %max3A_139 = vector.broadcast %max3A_138 : i32 to vector<16xi32>
      %max3A_140 = arith.maxsi %sub3A_137, %max3A_139 : vector<16xi32>
      %lt3A_141 = arith.constant 0 : i32
      %lt3A_142 = vector.broadcast %lt3A_141 : i32 to vector<16xi32>
      %lt3A_143 = arith.cmpi slt, %max3A_140, %lt3A_142 : vector<16xi32>
      %add3A_144 = arith.constant 16 : i32
      %add3A_145 = vector.broadcast %add3A_144 : i32 to vector<16xi32>
      %add3A_146 = arith.addi %max3A_140, %add3A_145 : vector<16xi32>
      %select_n3A_147 = arith.select %lt3A_143, %add3A_146, %max3A_140 : vector<16xi1>, vector<16xi32>
      %broadcast_in_dim3A_148 = vector.shape_cast %select_n3A_147 : vector<16xi32> to vector<16x1xi32>
      %gather3A_149 = vector.shape_cast %broadcast_in_dim3A_148 : vector<16x1xi32> to vector<16xi32>
      %gather3A_150 = tpu.dynamic_gather %and3A_97[%gather3A_149] in [0] : vector<16xi32>, vector<16xi32> -> vector<16xi32>
      %ge3A = arith.constant 1 : i32
      %ge3A_151 = vector.broadcast %ge3A : i32 to vector<16xi32>
      %ge3A_152 = arith.cmpi sge, %iota3A, %ge3A_151 : vector<16xi32>
      %jit3A_153 = arith.constant 0 : i32
      %broadcast_in_dim3A_154 = vector.broadcast %jit3A_153 : i32 to vector<16xi32>
      %select_n3A_155 = arith.select %ge3A_152, %gather3A_150, %broadcast_in_dim3A_154 : vector<16xi1>, vector<16xi32>
      %add3A_156 = arith.addi %and3A_97, %select_n3A_155 : vector<16xi32>
      %sub3A_157 = arith.constant 2 : i32
      %sub3A_158 = vector.broadcast %sub3A_157 : i32 to vector<16xi32>
      %sub3A_159 = arith.subi %iota3A, %sub3A_158 : vector<16xi32>
      %max3A_160 = arith.constant 0 : i32
      %max3A_161 = vector.broadcast %max3A_160 : i32 to vector<16xi32>
      %max3A_162 = arith.maxsi %sub3A_159, %max3A_161 : vector<16xi32>
      %lt3A_163 = arith.constant 0 : i32
      %lt3A_164 = vector.broadcast %lt3A_163 : i32 to vector<16xi32>
      %lt3A_165 = arith.cmpi slt, %max3A_162, %lt3A_164 : vector<16xi32>
      %add3A_166 = arith.constant 16 : i32
      %add3A_167 = vector.broadcast %add3A_166 : i32 to vector<16xi32>
      %add3A_168 = arith.addi %max3A_162, %add3A_167 : vector<16xi32>
      %select_n3A_169 = arith.select %lt3A_165, %add3A_168, %max3A_162 : vector<16xi1>, vector<16xi32>
      %broadcast_in_dim3A_170 = vector.shape_cast %select_n3A_169 : vector<16xi32> to vector<16x1xi32>
      %gather3A_171 = vector.shape_cast %broadcast_in_dim3A_170 : vector<16x1xi32> to vector<16xi32>
      %gather3A_172 = tpu.dynamic_gather %add3A_156[%gather3A_171] in [0] : vector<16xi32>, vector<16xi32> -> vector<16xi32>
      %ge3A_173 = arith.constant 2 : i32
      %ge3A_174 = vector.broadcast %ge3A_173 : i32 to vector<16xi32>
      %ge3A_175 = arith.cmpi sge, %iota3A, %ge3A_174 : vector<16xi32>
      %jit3A_176 = arith.constant 0 : i32
      %broadcast_in_dim3A_177 = vector.broadcast %jit3A_176 : i32 to vector<16xi32>
      %select_n3A_178 = arith.select %ge3A_175, %gather3A_172, %broadcast_in_dim3A_177 : vector<16xi1>, vector<16xi32>
      %add3A_179 = arith.addi %add3A_156, %select_n3A_178 : vector<16xi32>
      %sub3A_180 = arith.constant 4 : i32
      %sub3A_181 = vector.broadcast %sub3A_180 : i32 to vector<16xi32>
      %sub3A_182 = arith.subi %iota3A, %sub3A_181 : vector<16xi32>
      %max3A_183 = arith.constant 0 : i32
      %max3A_184 = vector.broadcast %max3A_183 : i32 to vector<16xi32>
      %max3A_185 = arith.maxsi %sub3A_182, %max3A_184 : vector<16xi32>
      %lt3A_186 = arith.constant 0 : i32
      %lt3A_187 = vector.broadcast %lt3A_186 : i32 to vector<16xi32>
      %lt3A_188 = arith.cmpi slt, %max3A_185, %lt3A_187 : vector<16xi32>
      %add3A_189 = arith.constant 16 : i32
      %add3A_190 = vector.broadcast %add3A_189 : i32 to vector<16xi32>
      %add3A_191 = arith.addi %max3A_185, %add3A_190 : vector<16xi32>
      %select_n3A_192 = arith.select %lt3A_188, %add3A_191, %max3A_185 : vector<16xi1>, vector<16xi32>
      %broadcast_in_dim3A_193 = vector.shape_cast %select_n3A_192 : vector<16xi32> to vector<16x1xi32>
      %gather3A_194 = vector.shape_cast %broadcast_in_dim3A_193 : vector<16x1xi32> to vector<16xi32>
      %gather3A_195 = tpu.dynamic_gather %add3A_179[%gather3A_194] in [0] : vector<16xi32>, vector<16xi32> -> vector<16xi32>
      %ge3A_196 = arith.constant 4 : i32
      %ge3A_197 = vector.broadcast %ge3A_196 : i32 to vector<16xi32>
      %ge3A_198 = arith.cmpi sge, %iota3A, %ge3A_197 : vector<16xi32>
      %jit3A_199 = arith.constant 0 : i32
      %broadcast_in_dim3A_200 = vector.broadcast %jit3A_199 : i32 to vector<16xi32>
      %select_n3A_201 = arith.select %ge3A_198, %gather3A_195, %broadcast_in_dim3A_200 : vector<16xi1>, vector<16xi32>
      %add3A_202 = arith.addi %add3A_179, %select_n3A_201 : vector<16xi32>
      %sub3A_203 = arith.constant 8 : i32
      %sub3A_204 = vector.broadcast %sub3A_203 : i32 to vector<16xi32>
      %sub3A_205 = arith.subi %iota3A, %sub3A_204 : vector<16xi32>
      %max3A_206 = arith.constant 0 : i32
      %max3A_207 = vector.broadcast %max3A_206 : i32 to vector<16xi32>
      %max3A_208 = arith.maxsi %sub3A_205, %max3A_207 : vector<16xi32>
      %lt3A_209 = arith.constant 0 : i32
      %lt3A_210 = vector.broadcast %lt3A_209 : i32 to vector<16xi32>
      %lt3A_211 = arith.cmpi slt, %max3A_208, %lt3A_210 : vector<16xi32>
      %add3A_212 = arith.constant 16 : i32
      %add3A_213 = vector.broadcast %add3A_212 : i32 to vector<16xi32>
      %add3A_214 = arith.addi %max3A_208, %add3A_213 : vector<16xi32>
      %select_n3A_215 = arith.select %lt3A_211, %add3A_214, %max3A_208 : vector<16xi1>, vector<16xi32>
      %broadcast_in_dim3A_216 = vector.shape_cast %select_n3A_215 : vector<16xi32> to vector<16x1xi32>
      %gather3A_217 = vector.shape_cast %broadcast_in_dim3A_216 : vector<16x1xi32> to vector<16xi32>
      %gather3A_218 = tpu.dynamic_gather %add3A_202[%gather3A_217] in [0] : vector<16xi32>, vector<16xi32> -> vector<16xi32>
      %ge3A_219 = arith.constant 8 : i32
      %ge3A_220 = vector.broadcast %ge3A_219 : i32 to vector<16xi32>
      %ge3A_221 = arith.cmpi sge, %iota3A, %ge3A_220 : vector<16xi32>
      %jit3A_222 = arith.constant 0 : i32
      %broadcast_in_dim3A_223 = vector.broadcast %jit3A_222 : i32 to vector<16xi32>
      %select_n3A_224 = arith.select %ge3A_221, %gather3A_218, %broadcast_in_dim3A_223 : vector<16xi1>, vector<16xi32>
      %add3A_225 = arith.addi %add3A_202, %select_n3A_224 : vector<16xi32>
      %jit3A_226 = arith.constant 0 : i32
      %broadcast_in_dim3A_227 = vector.broadcast %jit3A_226 : i32 to vector<16xi32>
      %select_n3A_228 = arith.select %or3A, %iota3A, %broadcast_in_dim3A_227 : vector<16xi1>, vector<16xi32>
      %sub3A_229 = arith.constant 1 : i32
      %sub3A_230 = vector.broadcast %sub3A_229 : i32 to vector<16xi32>
      %sub3A_231 = arith.subi %iota3A, %sub3A_230 : vector<16xi32>
      %max3A_232 = arith.constant 0 : i32
      %max3A_233 = vector.broadcast %max3A_232 : i32 to vector<16xi32>
      %max3A_234 = arith.maxsi %sub3A_231, %max3A_233 : vector<16xi32>
      %lt3A_235 = arith.constant 0 : i32
      %lt3A_236 = vector.broadcast %lt3A_235 : i32 to vector<16xi32>
      %lt3A_237 = arith.cmpi slt, %max3A_234, %lt3A_236 : vector<16xi32>
      %add3A_238 = arith.constant 16 : i32
      %add3A_239 = vector.broadcast %add3A_238 : i32 to vector<16xi32>
      %add3A_240 = arith.addi %max3A_234, %add3A_239 : vector<16xi32>
      %select_n3A_241 = arith.select %lt3A_237, %add3A_240, %max3A_234 : vector<16xi1>, vector<16xi32>
      %broadcast_in_dim3A_242 = vector.shape_cast %select_n3A_241 : vector<16xi32> to vector<16x1xi32>
      %gather3A_243 = vector.shape_cast %broadcast_in_dim3A_242 : vector<16x1xi32> to vector<16xi32>
      %gather3A_244 = tpu.dynamic_gather %select_n3A_228[%gather3A_243] in [0] : vector<16xi32>, vector<16xi32> -> vector<16xi32>
      %ge3A_245 = arith.constant 1 : i32
      %ge3A_246 = vector.broadcast %ge3A_245 : i32 to vector<16xi32>
      %ge3A_247 = arith.cmpi sge, %iota3A, %ge3A_246 : vector<16xi32>
      %jit3A_248 = arith.constant 0 : i32
      %broadcast_in_dim3A_249 = vector.broadcast %jit3A_248 : i32 to vector<16xi32>
      %select_n3A_250 = arith.select %ge3A_247, %gather3A_244, %broadcast_in_dim3A_249 : vector<16xi1>, vector<16xi32>
      %max3A_251 = arith.maxsi %select_n3A_228, %select_n3A_250 : vector<16xi32>
      %sub3A_252 = arith.constant 2 : i32
      %sub3A_253 = vector.broadcast %sub3A_252 : i32 to vector<16xi32>
      %sub3A_254 = arith.subi %iota3A, %sub3A_253 : vector<16xi32>
      %max3A_255 = arith.constant 0 : i32
      %max3A_256 = vector.broadcast %max3A_255 : i32 to vector<16xi32>
      %max3A_257 = arith.maxsi %sub3A_254, %max3A_256 : vector<16xi32>
      %lt3A_258 = arith.constant 0 : i32
      %lt3A_259 = vector.broadcast %lt3A_258 : i32 to vector<16xi32>
      %lt3A_260 = arith.cmpi slt, %max3A_257, %lt3A_259 : vector<16xi32>
      %add3A_261 = arith.constant 16 : i32
      %add3A_262 = vector.broadcast %add3A_261 : i32 to vector<16xi32>
      %add3A_263 = arith.addi %max3A_257, %add3A_262 : vector<16xi32>
      %select_n3A_264 = arith.select %lt3A_260, %add3A_263, %max3A_257 : vector<16xi1>, vector<16xi32>
      %broadcast_in_dim3A_265 = vector.shape_cast %select_n3A_264 : vector<16xi32> to vector<16x1xi32>
      %gather3A_266 = vector.shape_cast %broadcast_in_dim3A_265 : vector<16x1xi32> to vector<16xi32>
      %gather3A_267 = tpu.dynamic_gather %max3A_251[%gather3A_266] in [0] : vector<16xi32>, vector<16xi32> -> vector<16xi32>
      %ge3A_268 = arith.constant 2 : i32
      %ge3A_269 = vector.broadcast %ge3A_268 : i32 to vector<16xi32>
      %ge3A_270 = arith.cmpi sge, %iota3A, %ge3A_269 : vector<16xi32>
      %jit3A_271 = arith.constant 0 : i32
      %broadcast_in_dim3A_272 = vector.broadcast %jit3A_271 : i32 to vector<16xi32>
      %select_n3A_273 = arith.select %ge3A_270, %gather3A_267, %broadcast_in_dim3A_272 : vector<16xi1>, vector<16xi32>
      %max3A_274 = arith.maxsi %max3A_251, %select_n3A_273 : vector<16xi32>
      %sub3A_275 = arith.constant 4 : i32
      %sub3A_276 = vector.broadcast %sub3A_275 : i32 to vector<16xi32>
      %sub3A_277 = arith.subi %iota3A, %sub3A_276 : vector<16xi32>
      %max3A_278 = arith.constant 0 : i32
      %max3A_279 = vector.broadcast %max3A_278 : i32 to vector<16xi32>
      %max3A_280 = arith.maxsi %sub3A_277, %max3A_279 : vector<16xi32>
      %lt3A_281 = arith.constant 0 : i32
      %lt3A_282 = vector.broadcast %lt3A_281 : i32 to vector<16xi32>
      %lt3A_283 = arith.cmpi slt, %max3A_280, %lt3A_282 : vector<16xi32>
      %add3A_284 = arith.constant 16 : i32
      %add3A_285 = vector.broadcast %add3A_284 : i32 to vector<16xi32>
      %add3A_286 = arith.addi %max3A_280, %add3A_285 : vector<16xi32>
      %select_n3A_287 = arith.select %lt3A_283, %add3A_286, %max3A_280 : vector<16xi1>, vector<16xi32>
      %broadcast_in_dim3A_288 = vector.shape_cast %select_n3A_287 : vector<16xi32> to vector<16x1xi32>
      %gather3A_289 = vector.shape_cast %broadcast_in_dim3A_288 : vector<16x1xi32> to vector<16xi32>
      %gather3A_290 = tpu.dynamic_gather %max3A_274[%gather3A_289] in [0] : vector<16xi32>, vector<16xi32> -> vector<16xi32>
      %ge3A_291 = arith.constant 4 : i32
      %ge3A_292 = vector.broadcast %ge3A_291 : i32 to vector<16xi32>
      %ge3A_293 = arith.cmpi sge, %iota3A, %ge3A_292 : vector<16xi32>
      %jit3A_294 = arith.constant 0 : i32
      %broadcast_in_dim3A_295 = vector.broadcast %jit3A_294 : i32 to vector<16xi32>
      %select_n3A_296 = arith.select %ge3A_293, %gather3A_290, %broadcast_in_dim3A_295 : vector<16xi1>, vector<16xi32>
      %max3A_297 = arith.maxsi %max3A_274, %select_n3A_296 : vector<16xi32>
      %sub3A_298 = arith.constant 8 : i32
      %sub3A_299 = vector.broadcast %sub3A_298 : i32 to vector<16xi32>
      %sub3A_300 = arith.subi %iota3A, %sub3A_299 : vector<16xi32>
      %max3A_301 = arith.constant 0 : i32
      %max3A_302 = vector.broadcast %max3A_301 : i32 to vector<16xi32>
      %max3A_303 = arith.maxsi %sub3A_300, %max3A_302 : vector<16xi32>
      %lt3A_304 = arith.constant 0 : i32
      %lt3A_305 = vector.broadcast %lt3A_304 : i32 to vector<16xi32>
      %lt3A_306 = arith.cmpi slt, %max3A_303, %lt3A_305 : vector<16xi32>
      %add3A_307 = arith.constant 16 : i32
      %add3A_308 = vector.broadcast %add3A_307 : i32 to vector<16xi32>
      %add3A_309 = arith.addi %max3A_303, %add3A_308 : vector<16xi32>
      %select_n3A_310 = arith.select %lt3A_306, %add3A_309, %max3A_303 : vector<16xi1>, vector<16xi32>
      %broadcast_in_dim3A_311 = vector.shape_cast %select_n3A_310 : vector<16xi32> to vector<16x1xi32>
      %gather3A_312 = vector.shape_cast %broadcast_in_dim3A_311 : vector<16x1xi32> to vector<16xi32>
      %gather3A_313 = tpu.dynamic_gather %max3A_297[%gather3A_312] in [0] : vector<16xi32>, vector<16xi32> -> vector<16xi32>
      %ge3A_314 = arith.constant 8 : i32
      %ge3A_315 = vector.broadcast %ge3A_314 : i32 to vector<16xi32>
      %ge3A_316 = arith.cmpi sge, %iota3A, %ge3A_315 : vector<16xi32>
      %jit3A_317 = arith.constant 0 : i32
      %broadcast_in_dim3A_318 = vector.broadcast %jit3A_317 : i32 to vector<16xi32>
      %select_n3A_319 = arith.select %ge3A_316, %gather3A_313, %broadcast_in_dim3A_318 : vector<16xi1>, vector<16xi32>
      %max3A_320 = arith.maxsi %max3A_297, %select_n3A_319 : vector<16xi32>
      %sub3A_321 = arith.constant 1 : i32
      %sub3A_322 = vector.broadcast %sub3A_321 : i32 to vector<16xi32>
      %sub3A_323 = arith.subi %max3A_320, %sub3A_322 : vector<16xi32>
      %max3A_324 = arith.constant 0 : i32
      %max3A_325 = vector.broadcast %max3A_324 : i32 to vector<16xi32>
      %max3A_326 = arith.maxsi %sub3A_323, %max3A_325 : vector<16xi32>
      %lt3A_327 = arith.constant 0 : i32
      %lt3A_328 = vector.broadcast %lt3A_327 : i32 to vector<16xi32>
      %lt3A_329 = arith.cmpi slt, %max3A_326, %lt3A_328 : vector<16xi32>
      %add3A_330 = arith.constant 16 : i32
      %add3A_331 = vector.broadcast %add3A_330 : i32 to vector<16xi32>
      %add3A_332 = arith.addi %max3A_326, %add3A_331 : vector<16xi32>
      %select_n3A_333 = arith.select %lt3A_329, %add3A_332, %max3A_326 : vector<16xi1>, vector<16xi32>
      %broadcast_in_dim3A_334 = vector.shape_cast %select_n3A_333 : vector<16xi32> to vector<16x1xi32>
      %gather3A_335 = vector.shape_cast %broadcast_in_dim3A_334 : vector<16x1xi32> to vector<16xi32>
      %gather3A_336 = tpu.dynamic_gather %add3A_225[%gather3A_335] in [0] : vector<16xi32>, vector<16xi32> -> vector<16xi32>
      %gt3A = arith.constant 0 : i32
      %gt3A_337 = vector.broadcast %gt3A : i32 to vector<16xi32>
      %gt3A_338 = arith.cmpi sgt, %max3A_320, %gt3A_337 : vector<16xi32>
      %jit3A_339 = arith.constant 0 : i32
      %broadcast_in_dim3A_340 = vector.broadcast %jit3A_339 : i32 to vector<16xi32>
      %select_n3A_341 = arith.select %gt3A_338, %gather3A_336, %broadcast_in_dim3A_340 : vector<16xi1>, vector<16xi32>
      %sub3A_342 = arith.subi %add3A_225, %select_n3A_341 : vector<16xi32>
      %lt3A_343 = arith.constant 65536 : i32
      %lt3A_344 = vector.broadcast %lt3A_343 : i32 to vector<16xi32>
      %lt3A_345 = arith.cmpi slt, %shift_right_logical3A_94, %lt3A_344 : vector<16xi32>
      %and3A_346 = arith.andi %or3A_134, %lt3A_345 : vector<16xi1>
      %shift_right_logical3A_347 = arith.constant 11 : i32
      %shift_right_logical3A_348 = vector.broadcast %shift_right_logical3A_347 : i32 to vector<16xi32>
      %shift_right_logical3A_349 = arith.shrui %shift_right_logical3A_94, %shift_right_logical3A_348 : vector<16xi32>
      %jit3A_350 = arith.constant 0 : i32
      %broadcast_in_dim3A_351 = vector.broadcast %jit3A_350 : i32 to vector<16xi32>
      %select_n3A_352 = arith.select %and3A_346, %shift_right_logical3A_349, %broadcast_in_dim3A_351 : vector<16xi1>, vector<16xi32>
      %and3A_353 = arith.constant 2047 : i32
      %and3A_354 = vector.broadcast %and3A_353 : i32 to vector<16xi32>
      %and3A_355 = arith.andi %shift_right_logical3A_94, %and3A_354 : vector<16xi32>
      %jit3A_356 = arith.constant 0 : i32
      %broadcast_in_dim3A_357 = vector.broadcast %jit3A_356 : i32 to vector<16xi32>
      %select_n3A_358 = arith.select %and3A_346, %and3A_355, %broadcast_in_dim3A_357 : vector<16xi1>, vector<16xi32>
      %convert_element_type3A = arith.sitofp %sub3A_342 : vector<16xi32> to vector<16xf32>
      tpu.vector_store_idx %arg7[%select_n3A_352, %select_n3A_358], %convert_element_type3A masked %and3A_346 {add = true} : memref<32x2048xf32, #tpu.memory_space<vmem>>[vector<16xi32>, vector<16xi32>], vector<16xf32>, vector<16xi1>
    }
    %add3A_64 = arith.constant 0 : i32
    %add3A_65 = vector.broadcast %add3A_64 : i32 to vector<16xi32>
    %add3A_66 = arith.addi %iota3A, %add3A_65 : vector<16xi32>
    %add3A_67 = arith.constant 32 : i32
    %add3A_68 = arith.addi %mul3A_4, %add3A_67 : i32
    %add3A_69 = vector.broadcast %add3A_68 : i32 to vector<16xi32>
    %add3A_70 = arith.addi %add3A_69, %add3A_66 : vector<16xi32>
    tpu.vector_store_idx %arg7[%add3A_66, %add3A_70], %broadcast_in_dim3A_2 {add = true} : memref<32x2048xf32, #tpu.memory_space<vmem>>[vector<16xi32>, vector<16xi32>], vector<16xf32>,
    %add3A_71 = arith.constant 16 : i32
    %add3A_72 = vector.broadcast %add3A_71 : i32 to vector<16xi32>
    %add3A_73 = arith.addi %iota3A, %add3A_72 : vector<16xi32>
    %add3A_74 = arith.constant 32 : i32
    %add3A_75 = arith.addi %mul3A_4, %add3A_74 : i32
    %add3A_76 = vector.broadcast %add3A_75 : i32 to vector<16xi32>
    %add3A_77 = arith.addi %add3A_76, %add3A_73 : vector<16xi32>
    tpu.vector_store_idx %arg7[%add3A_73, %add3A_77], %broadcast_in_dim3A_2 {add = true} : memref<32x2048xf32, #tpu.memory_space<vmem>>[vector<16xi32>, vector<16xi32>], vector<16xf32>,
    %add3A_78 = arith.constant 32 : i32
    %add3A_79 = arith.addi %mul3A_4, %add3A_78 : i32
    "tpu.region"() ({
      %run_scoped3A_80 = tpu.sem_alloc : memref<!tpu.dma_semaphore, #tpu.memory_space<semaphore_mem>>
      %dma_start3A = arith.constant 0 : i32
      %dma_start3A_81 = tpu.memref_slice %arg3[%add3A_79, %dma_start3A] : memref<2048x2048xf32, #tpu.memory_space<hbm>> -> memref<32x2048xf32, #tpu.memory_space<hbm>>
      %dma_start3A_82 = arith.constant 0 : i32
      %dma_start3A_83 = tpu.memref_slice %arg3[%add3A_79, %dma_start3A_82] : memref<2048x2048xf32, #tpu.memory_space<hbm>> -> memref<32x2048xf32, #tpu.memory_space<hbm>>
      tpu.enqueue_dma source(%arg7 : memref<32x2048xf32, #tpu.memory_space<vmem>>) target(%dma_start3A_83 : memref<32x2048xf32, #tpu.memory_space<hbm>>) target_semaphore(%run_scoped3A_80 : memref<!tpu.dma_semaphore, #tpu.memory_space<semaphore_mem>>)
      %dma_wait3A = arith.constant 0 : i32
      %dma_wait3A_84 = tpu.memref_slice %arg3[%add3A_79, %dma_wait3A] : memref<2048x2048xf32, #tpu.memory_space<hbm>> -> memref<32x2048xf32, #tpu.memory_space<hbm>>
      %dma_wait3A_85 = arith.constant 0 : i32
      %dma_wait3A_86 = tpu.memref_slice %arg3[%add3A_79, %dma_wait3A_85] : memref<2048x2048xf32, #tpu.memory_space<hbm>> -> memref<32x2048xf32, #tpu.memory_space<hbm>>
      tpu.wait_dma2 semaphore(%run_scoped3A_80 : memref<!tpu.dma_semaphore, #tpu.memory_space<semaphore_mem>>) src(%arg7 : memref<32x2048xf32, #tpu.memory_space<vmem>>) dst(%dma_wait3A_86 : memref<32x2048xf32, #tpu.memory_space<hbm>>)
      tpu.yield
    }) : () -> ()
    return
  }
}

module attributes {stable_mosaic.version = 14 : i64} {
  func.func @_xw_kernel(%arg0: i32, %arg1: memref<1476x512xbf16, #tpu.memory_space<vmem>>, %arg2: memref<512x512xbf16, #tpu.memory_space<vmem>>, %arg3: memref<1476x512xbf16, #tpu.memory_space<vmem>>) attributes {dimension_semantics = [#tpu.dimension_semantics<arbitrary>], iteration_bounds = array<i64: 1>, scalar_prefetch = 0 : i64, scratch_operands = 0 : i64, tpu.core_type = #tpu.core_type<tc>, window_params = [{transform_indices = @transform_0, window_bounds = array<i64: 1476, 512>}, {pipeline_mode = #tpu.pipeline_mode<synchronous>, transform_indices = @transform_1, window_bounds = array<i64: 512, 512>}, {transform_indices = @transform_2, window_bounds = array<i64: 1476, 512>}]} {
    %get3A = arith.constant 0 : index
    %get3A_0 = arith.constant 0 : index
    %get3A_1 = vector.load %arg1[%get3A, %get3A_0] : memref<1476x512xbf16, #tpu.memory_space<vmem>>, vector<1476x512xbf16>
    %get3A_2 = arith.constant 0 : index
    %get3A_3 = arith.constant 0 : index
    %get3A_4 = vector.load %arg2[%get3A_2, %get3A_3] : memref<512x512xbf16, #tpu.memory_space<vmem>>, vector<512x512xbf16>
    %dot_general3A = arith.constant dense<0.000000e+00> : vector<1476x512xf32>
    %dot_general3A_5 = tpu.matmul %get3A_1, %get3A_4, %dot_general3A {dimension_numbers = #tpu.dot_dimension_numbers<[1], [0], [0], [1], [0, 0, 1, 1], [], []>, transpose_lhs_hint = false} : vector<1476x512xbf16>, vector<512x512xbf16>, vector<1476x512xf32> -> vector<1476x512xf32>
    %convert_element_type3A = arith.truncf %dot_general3A_5 : vector<1476x512xf32> to vector<1476x512xbf16>
    %swap3A = arith.constant 0 : index
    %swap3A_6 = arith.constant 0 : index
    %swap3A_7 = vector.load %arg3[%swap3A, %swap3A_6] : memref<1476x512xbf16, #tpu.memory_space<vmem>>, vector<1476x512xbf16>
    tpu.vector_store %arg3[%swap3A, %swap3A_6], %convert_element_type3A {strides = array<i32>} : memref<1476x512xbf16, #tpu.memory_space<vmem>>, vector<1476x512xbf16>,
    return
  }
  func.func @transform_0(%arg0: i32) -> (i32, i32) {
    %c0_i32 = arith.constant 0 : i32
    %c0_i32_0 = arith.constant 0 : i32
    return %arg0, %c0_i32 : i32, i32
  }
  func.func @transform_1(%arg0: i32) -> (i32, i32) {
    %c0_i32 = arith.constant 0 : i32
    %c0_i32_0 = arith.constant 0 : i32
    %c0_i32_1 = arith.constant 0 : i32
    return %c0_i32, %c0_i32_0 : i32, i32
  }
  func.func @transform_2(%arg0: i32) -> (i32, i32) {
    %c0_i32 = arith.constant 0 : i32
    %c0_i32_0 = arith.constant 0 : i32
    return %arg0, %c0_i32 : i32, i32
  }
}

module attributes {stable_mosaic.version = 14 : i64} {
  func.func @_xw_kernel(%arg0: i32, %arg1: memref<257x64xbf16, #tpu.memory_space<vmem>>, %arg2: memref<64x3xbf16, #tpu.memory_space<vmem>>, %arg3: memref<257x3xbf16, #tpu.memory_space<vmem>>) attributes {dimension_semantics = [#tpu.dimension_semantics<arbitrary>], iteration_bounds = array<i64: 1>, scalar_prefetch = 0 : i64, scratch_operands = 0 : i64, tpu.core_type = #tpu.core_type<tc>, window_params = [{transform_indices = @transform_0, window_bounds = array<i64: 257, 64>}, {pipeline_mode = #tpu.pipeline_mode<synchronous>, transform_indices = @transform_1, window_bounds = array<i64: 64, 3>}, {transform_indices = @transform_2, window_bounds = array<i64: 257, 3>}]} {
    %get3A = arith.constant 0 : index
    %get3A_0 = arith.constant 0 : index
    %get3A_1 = vector.load %arg1[%get3A, %get3A_0] : memref<257x64xbf16, #tpu.memory_space<vmem>>, vector<257x64xbf16>
    %get3A_2 = arith.constant 0 : index
    %get3A_3 = arith.constant 0 : index
    %get3A_4 = vector.load %arg2[%get3A_2, %get3A_3] : memref<64x3xbf16, #tpu.memory_space<vmem>>, vector<64x3xbf16>
    %dot_general3A = arith.constant dense<0.000000e+00> : vector<257x3xf32>
    %dot_general3A_5 = tpu.matmul %get3A_1, %get3A_4, %dot_general3A {dimension_numbers = #tpu.dot_dimension_numbers<[1], [0], [0], [1], [0, 0, 1, 1], [], []>, transpose_lhs_hint = false} : vector<257x64xbf16>, vector<64x3xbf16>, vector<257x3xf32> -> vector<257x3xf32>
    %convert_element_type3A = arith.truncf %dot_general3A_5 : vector<257x3xf32> to vector<257x3xbf16>
    %swap3A = arith.constant 0 : index
    %swap3A_6 = arith.constant 0 : index
    %swap3A_7 = vector.load %arg3[%swap3A, %swap3A_6] : memref<257x3xbf16, #tpu.memory_space<vmem>>, vector<257x3xbf16>
    tpu.vector_store %arg3[%swap3A, %swap3A_6], %convert_element_type3A {strides = array<i32>} : memref<257x3xbf16, #tpu.memory_space<vmem>>, vector<257x3xbf16>,
    return
  }
  func.func @transform_0(%arg0: i32) -> (i32, i32) {
    %c0_i32 = arith.constant 0 : i32
    %c0_i32_0 = arith.constant 0 : i32
    return %arg0, %c0_i32 : i32, i32
  }
  func.func @transform_1(%arg0: i32) -> (i32, i32) {
    %c0_i32 = arith.constant 0 : i32
    %c0_i32_0 = arith.constant 0 : i32
    %c0_i32_1 = arith.constant 0 : i32
    return %c0_i32, %c0_i32_0 : i32, i32
  }
  func.func @transform_2(%arg0: i32) -> (i32, i32) {
    %c0_i32 = arith.constant 0 : i32
    %c0_i32_0 = arith.constant 0 : i32
    return %arg0, %c0_i32 : i32, i32
  }
}

module attributes {stable_mosaic.version = 14 : i64} {
  func.func @_gm_kernel(%arg0: memref<8x512xf32, #tpu.memory_space<vmem>>, %arg1: memref<512x512xbf16, #tpu.memory_space<vmem>>, %arg2: memref<8x512xf32, #tpu.memory_space<vmem>>) attributes {dimension_semantics = [], scalar_prefetch = 0 : i64, scratch_operands = 0 : i64, tpu.core_type = #tpu.core_type<tc>} {
    %get3A = arith.constant 0 : index
    %get3A_0 = arith.constant 0 : index
    %get3A_1 = vector.load %arg0[%get3A, %get3A_0] : memref<8x512xf32, #tpu.memory_space<vmem>>, vector<8x512xf32>
    %convert_element_type3A = arith.truncf %get3A_1 : vector<8x512xf32> to vector<8x512xbf16>
    %get3A_2 = arith.constant 0 : index
    %get3A_3 = arith.constant 0 : index
    %get3A_4 = vector.load %arg1[%get3A_2, %get3A_3] : memref<512x512xbf16, #tpu.memory_space<vmem>>, vector<512x512xbf16>
    %dot_general3A = arith.constant dense<0.000000e+00> : vector<8x512xf32>
    %dot_general3A_5 = tpu.matmul %convert_element_type3A, %get3A_4, %dot_general3A {dimension_numbers = #tpu.dot_dimension_numbers<[1], [0], [0], [1], [0, 0, 1, 1], [], []>, transpose_lhs_hint = false} : vector<8x512xbf16>, vector<512x512xbf16>, vector<8x512xf32> -> vector<8x512xf32>
    %swap3A = arith.constant 0 : index
    %swap3A_6 = arith.constant 0 : index
    %swap3A_7 = vector.load %arg2[%swap3A, %swap3A_6] : memref<8x512xf32, #tpu.memory_space<vmem>>, vector<8x512xf32>
    tpu.vector_store %arg2[%swap3A, %swap3A_6], %dot_general3A_5 {strides = array<i32>} : memref<8x512xf32, #tpu.memory_space<vmem>>, vector<8x512xf32>,
    return
  }
}

module attributes {stable_mosaic.version = 14 : i64} {
  func.func @_xw_kernel(%arg0: i32, %arg1: memref<513x256xbf16, #tpu.memory_space<vmem>>, %arg2: memref<256x256xbf16, #tpu.memory_space<vmem>>, %arg3: memref<513x256xbf16, #tpu.memory_space<vmem>>) attributes {dimension_semantics = [#tpu.dimension_semantics<arbitrary>], iteration_bounds = array<i64: 1>, scalar_prefetch = 0 : i64, scratch_operands = 0 : i64, tpu.core_type = #tpu.core_type<tc>, window_params = [{transform_indices = @transform_0, window_bounds = array<i64: 513, 256>}, {pipeline_mode = #tpu.pipeline_mode<synchronous>, transform_indices = @transform_1, window_bounds = array<i64: 256, 256>}, {transform_indices = @transform_2, window_bounds = array<i64: 513, 256>}]} {
    %get3A = arith.constant 0 : index
    %get3A_0 = arith.constant 0 : index
    %get3A_1 = vector.load %arg1[%get3A, %get3A_0] : memref<513x256xbf16, #tpu.memory_space<vmem>>, vector<513x256xbf16>
    %get3A_2 = arith.constant 0 : index
    %get3A_3 = arith.constant 0 : index
    %get3A_4 = vector.load %arg2[%get3A_2, %get3A_3] : memref<256x256xbf16, #tpu.memory_space<vmem>>, vector<256x256xbf16>
    %dot_general3A = arith.constant dense<0.000000e+00> : vector<513x256xf32>
    %dot_general3A_5 = tpu.matmul %get3A_1, %get3A_4, %dot_general3A {dimension_numbers = #tpu.dot_dimension_numbers<[1], [0], [0], [1], [0, 0, 1, 1], [], []>, transpose_lhs_hint = false} : vector<513x256xbf16>, vector<256x256xbf16>, vector<513x256xf32> -> vector<513x256xf32>
    %convert_element_type3A = arith.truncf %dot_general3A_5 : vector<513x256xf32> to vector<513x256xbf16>
    %swap3A = arith.constant 0 : index
    %swap3A_6 = arith.constant 0 : index
    %swap3A_7 = vector.load %arg3[%swap3A, %swap3A_6] : memref<513x256xbf16, #tpu.memory_space<vmem>>, vector<513x256xbf16>
    tpu.vector_store %arg3[%swap3A, %swap3A_6], %convert_element_type3A {strides = array<i32>} : memref<513x256xbf16, #tpu.memory_space<vmem>>, vector<513x256xbf16>,
    return
  }
  func.func @transform_0(%arg0: i32) -> (i32, i32) {
    %c0_i32 = arith.constant 0 : i32
    %c0_i32_0 = arith.constant 0 : i32
    return %arg0, %c0_i32 : i32, i32
  }
  func.func @transform_1(%arg0: i32) -> (i32, i32) {
    %c0_i32 = arith.constant 0 : i32
    %c0_i32_0 = arith.constant 0 : i32
    %c0_i32_1 = arith.constant 0 : i32
    return %c0_i32, %c0_i32_0 : i32, i32
  }
  func.func @transform_2(%arg0: i32) -> (i32, i32) {
    %c0_i32 = arith.constant 0 : i32
    %c0_i32_0 = arith.constant 0 : i32
    return %arg0, %c0_i32 : i32, i32
  }
}

module attributes {stable_mosaic.version = 14 : i64} {
  func.func @_l0_kernel(%arg0: i32, %arg1: i32, %arg2: memref<1x960x512xf32, #tpu.memory_space<vmem>>, %arg3: memref<3x8x512xf32, #tpu.memory_space<vmem>>, %arg4: memref<1x1x512xf32, #tpu.memory_space<vmem>>, %arg5: memref<960x512xbf16, #tpu.memory_space<vmem>>, %arg6: memref<3x512xf32, #tpu.memory_space<vmem>>, %arg7: memref<1x512x512xbf16, #tpu.memory_space<vmem>>) attributes {dimension_semantics = [#tpu.dimension_semantics<arbitrary>, #tpu.dimension_semantics<arbitrary>], iteration_bounds = array<i64: 8, 4>, scalar_prefetch = 0 : i64, scratch_operands = 0 : i64, tpu.core_type = #tpu.core_type<tc>, window_params = [{transform_indices = @transform_0, window_bounds = array<i64: 1, 960, 512>}, {transform_indices = @transform_1, window_bounds = array<i64: 3, 8, 512>}, {transform_indices = @transform_2, window_bounds = array<i64: 1, 1, 512>}, {pipeline_mode = #tpu.pipeline_mode<synchronous>, transform_indices = @transform_3, window_bounds = array<i64: 960, 512>}, {pipeline_mode = #tpu.pipeline_mode<synchronous>, transform_indices = @transform_4, window_bounds = array<i64: 3, 512>}, {transform_indices = @transform_5, window_bounds = array<i64: 1, 512, 512>}]} {
    %get3A = arith.constant 0 : index
    %get3A_0 = arith.constant 0 : index
    %get3A_1 = arith.constant 0 : index
    %get3A_2 = vector.load %arg2[%get3A, %get3A_0, %get3A_1] : memref<1x960x512xf32, #tpu.memory_space<vmem>>, vector<1x960x512xf32>
    %get3A_3 = vector.shape_cast %get3A_2 : vector<1x960x512xf32> to vector<960x512xf32>
    %convert_element_type3A = arith.truncf %get3A_3 : vector<960x512xf32> to vector<960x512xbf16>
    %get3A_4 = arith.constant 0 : index
    %get3A_5 = arith.constant 0 : index
    %get3A_6 = vector.load %arg5[%get3A_4, %get3A_5] : memref<960x512xbf16, #tpu.memory_space<vmem>>, vector<960x512xbf16>
    %dot_general3A = arith.constant dense<0.000000e+00> : vector<512x512xf32>
    %dot_general3A_7 = tpu.matmul %convert_element_type3A, %get3A_6, %dot_general3A {dimension_numbers = #tpu.dot_dimension_numbers<[0], [0], [1], [1], [0, 1, 1, 1], [], []>, transpose_lhs_hint = true} : vector<960x512xbf16>, vector<960x512xbf16>, vector<512x512xf32> -> vector<512x512xf32>
    %get3A_8 = arith.constant 0 : index
    %get3A_9 = arith.index_cast %arg0 : i32 to index
    %get3A_10 = arith.constant 0 : index
    %get3A_11 = vector.load %arg3[%get3A_8, %get3A_9, %get3A_10] : memref<3x8x512xf32, #tpu.memory_space<vmem>>, vector<3x1x512xf32>
    %get3A_12 = vector.shape_cast %get3A_11 : vector<3x1x512xf32> to vector<3x512xf32>
    %get3A_13 = arith.constant 0 : index
    %get3A_14 = arith.constant 0 : index
    %get3A_15 = vector.load %arg6[%get3A_13, %get3A_14] : memref<3x512xf32, #tpu.memory_space<vmem>>, vector<3x512xf32>
    %dot_general3A_16 = arith.constant dense<0.000000e+00> : vector<512x512xf32>
    %dot_general3A_17 = tpu.matmul %get3A_12, %get3A_15, %dot_general3A_16 {dimension_numbers = #tpu.dot_dimension_numbers<[0], [0], [1], [1], [0, 1, 1, 1], [], []>, transpose_lhs_hint = true} : vector<3x512xf32>, vector<3x512xf32>, vector<512x512xf32> -> vector<512x512xf32>
    %add3A = arith.addf %dot_general3A_7, %dot_general3A_17 : vector<512x512xf32>
    %get3A_18 = arith.constant 0 : index
    %get3A_19 = arith.constant 0 : index
    %get3A_20 = arith.constant 0 : index
    %get3A_21 = vector.load %arg4[%get3A_18, %get3A_19, %get3A_20] : memref<1x1x512xf32, #tpu.memory_space<vmem>>, vector<1x1x512xf32>
    %get3A_22 = vector.shape_cast %get3A_21 : vector<1x1x512xf32> to vector<1x512xf32>
    %add3A_23 = vector.broadcast %get3A_22 : vector<1x512xf32> to vector<512x512xf32>
    %add3A_24 = arith.addf %add3A, %add3A_23 : vector<512x512xf32>
    %convert_element_type3A_25 = arith.truncf %add3A_24 : vector<512x512xf32> to vector<512x512xbf16>
    %swap3A = arith.constant 0 : index
    %swap3A_26 = arith.constant 0 : index
    %swap3A_27 = arith.constant 0 : index
    %swap3A_28 = vector.load %arg7[%swap3A, %swap3A_26, %swap3A_27] : memref<1x512x512xbf16, #tpu.memory_space<vmem>>, vector<1x512x512xbf16>
    %swap3A_29 = vector.shape_cast %swap3A_28 : vector<1x512x512xbf16> to vector<512x512xbf16>
    %swap3A_30 = vector.shape_cast %convert_element_type3A_25 : vector<512x512xbf16> to vector<1x512x512xbf16>
    tpu.vector_store %arg7[%swap3A, %swap3A_26, %swap3A_27], %swap3A_30 {strides = array<i32>} : memref<1x512x512xbf16, #tpu.memory_space<vmem>>, vector<1x512x512xbf16>,
    return
  }
  func.func @transform_0(%arg0: i32, %arg1: i32) -> (i32, i32, i32) {
    %c0_i32 = arith.constant 0 : i32
    %c0_i32_0 = arith.constant 0 : i32
    return %arg0, %c0_i32, %arg1 : i32, i32, i32
  }
  func.func @transform_1(%arg0: i32, %arg1: i32) -> (i32, i32, i32) {
    %c0_i32 = arith.constant 0 : i32
    %c0_i32_0 = arith.constant 0 : i32
    %c0_i32_1 = arith.constant 0 : i32
    return %c0_i32, %c0_i32_0, %arg1 : i32, i32, i32
  }
  func.func @transform_2(%arg0: i32, %arg1: i32) -> (i32, i32, i32) {
    %c0_i32 = arith.constant 0 : i32
    %c0_i32_0 = arith.constant 0 : i32
    %c0_i32_1 = arith.constant 0 : i32
    return %arg0, %c0_i32, %c0_i32_0 : i32, i32, i32
  }
  func.func @transform_3(%arg0: i32, %arg1: i32) -> (i32, i32) {
    %c0_i32 = arith.constant 0 : i32
    %c0_i32_0 = arith.constant 0 : i32
    %c0_i32_1 = arith.constant 0 : i32
    return %c0_i32, %c0_i32_0 : i32, i32
  }
  func.func @transform_4(%arg0: i32, %arg1: i32) -> (i32, i32) {
    %c0_i32 = arith.constant 0 : i32
    %c0_i32_0 = arith.constant 0 : i32
    %c0_i32_1 = arith.constant 0 : i32
    return %c0_i32, %c0_i32_0 : i32, i32
  }
  func.func @transform_5(%arg0: i32, %arg1: i32) -> (i32, i32, i32) {
    %c0_i32 = arith.constant 0 : i32
    %c0_i32_0 = arith.constant 0 : i32
    return %arg0, %arg1, %c0_i32 : i32, i32, i32
  }
}

module attributes {stable_mosaic.version = 14 : i64} {
  func.func @_deg_kernel(%arg0: i32, %arg1: memref<128x2048xf32, #tpu.memory_space<vmem>>, %arg2: memref<1x1x128xf32, #tpu.memory_space<vmem>>) attributes {dimension_semantics = [#tpu.dimension_semantics<arbitrary>], iteration_bounds = array<i64: 16>, scalar_prefetch = 0 : i64, scratch_operands = 0 : i64, tpu.core_type = #tpu.core_type<tc>, window_params = [{transform_indices = @transform_0, window_bounds = array<i64: 128, 2048>}, {transform_indices = @transform_1, window_bounds = array<i64: 1, 1, 128>}]} {
    %get3A = arith.constant 0 : index
    %get3A_0 = arith.constant 0 : index
    %get3A_1 = vector.load %arg1[%get3A, %get3A_0] : memref<128x2048xf32, #tpu.memory_space<vmem>>, vector<128x2048xf32>
    %reduce_sum3A = arith.constant dense<0.000000e+00> : vector<128xf32>
    %reduce_sum3A_2 = vector.multi_reduction <add>, %get3A_1, %reduce_sum3A [1] : vector<128x2048xf32> to vector<128xf32>
    %rsqrt3A = math.rsqrt %reduce_sum3A_2 : vector<128xf32>
    %swap3A = arith.constant 0 : index
    %swap3A_3 = arith.constant 0 : index
    %swap3A_4 = arith.constant 0 : index
    %swap3A_5 = vector.load %arg2[%swap3A, %swap3A_3, %swap3A_4] : memref<1x1x128xf32, #tpu.memory_space<vmem>>, vector<1x1x128xf32>
    %swap3A_6 = vector.shape_cast %swap3A_5 : vector<1x1x128xf32> to vector<128xf32>
    %swap3A_7 = vector.shape_cast %rsqrt3A : vector<128xf32> to vector<1x1x128xf32>
    tpu.vector_store %arg2[%swap3A, %swap3A_3, %swap3A_4], %swap3A_7 {strides = array<i32>} : memref<1x1x128xf32, #tpu.memory_space<vmem>>, vector<1x1x128xf32>,
    return
  }
  func.func @transform_0(%arg0: i32) -> (i32, i32) {
    %c0_i32 = arith.constant 0 : i32
    %c0_i32_0 = arith.constant 0 : i32
    return %arg0, %c0_i32 : i32, i32
  }
  func.func @transform_1(%arg0: i32) -> (i32, i32, i32) {
    %c0_i32 = arith.constant 0 : i32
    %c0_i32_0 = arith.constant 0 : i32
    %c0_i32_1 = arith.constant 0 : i32
    return %arg0, %c0_i32, %c0_i32_0 : i32, i32, i32
  }
}

module attributes {stable_mosaic.version = 14 : i64} {
  func.func @_scale_kernel(%arg0: i32, %arg1: memref<128x2048xf32, #tpu.memory_space<vmem>>, %arg2: memref<128x128xf32, #tpu.memory_space<vmem>>, %arg3: memref<1x2048xf32, #tpu.memory_space<vmem>>, %arg4: memref<128x2048xbf16, #tpu.memory_space<vmem>>, %arg5: memref<1x1x128xf32, #tpu.memory_space<vmem>>) attributes {dimension_semantics = [#tpu.dimension_semantics<arbitrary>], iteration_bounds = array<i64: 16>, scalar_prefetch = 0 : i64, scratch_operands = 0 : i64, tpu.core_type = #tpu.core_type<tc>, window_params = [{transform_indices = @transform_0, window_bounds = array<i64: 128, 2048>}, {transform_indices = @transform_1, window_bounds = array<i64: 128, 128>}, {pipeline_mode = #tpu.pipeline_mode<synchronous>, transform_indices = @transform_2, window_bounds = array<i64: 1, 2048>}, {transform_indices = @transform_3, window_bounds = array<i64: 128, 2048>}, {transform_indices = @transform_4, window_bounds = array<i64: 1, 1, 128>}]} {
    %get3A = arith.constant 0 : index
    %get3A_0 = arith.constant 0 : index
    %get3A_1 = vector.load %arg1[%get3A, %get3A_0] : memref<128x2048xf32, #tpu.memory_space<vmem>>, vector<128x2048xf32>
    %get3A_2 = arith.constant 0 : index
    %get3A_3 = arith.constant 0 : index
    %get3A_4 = vector.load %arg2[%get3A_2, %get3A_3] : memref<128x128xf32, #tpu.memory_space<vmem>>, vector<128x1xf32>
    %mul3A = vector.broadcast %get3A_4 : vector<128x1xf32> to vector<128x2048xf32>
    %mul3A_5 = arith.mulf %get3A_1, %mul3A : vector<128x2048xf32>
    %get3A_6 = arith.constant 0 : index
    %get3A_7 = arith.constant 0 : index
    %get3A_8 = vector.load %arg3[%get3A_6, %get3A_7] : memref<1x2048xf32, #tpu.memory_space<vmem>>, vector<1x2048xf32>
    %mul3A_9 = vector.broadcast %get3A_8 : vector<1x2048xf32> to vector<128x2048xf32>
    %mul3A_10 = arith.mulf %mul3A_5, %mul3A_9 : vector<128x2048xf32>
    %convert_element_type3A = arith.truncf %mul3A_10 : vector<128x2048xf32> to vector<128x2048xbf16>
    %swap3A = arith.constant 0 : index
    %swap3A_11 = arith.constant 0 : index
    %swap3A_12 = vector.load %arg4[%swap3A, %swap3A_11] : memref<128x2048xbf16, #tpu.memory_space<vmem>>, vector<128x2048xbf16>
    tpu.vector_store %arg4[%swap3A, %swap3A_11], %convert_element_type3A {strides = array<i32>} : memref<128x2048xbf16, #tpu.memory_space<vmem>>, vector<128x2048xbf16>,
    %reduce_sum3A = arith.constant dense<0.000000e+00> : vector<128xf32>
    %reduce_sum3A_13 = vector.multi_reduction <add>, %mul3A_10, %reduce_sum3A [1] : vector<128x2048xf32> to vector<128xf32>
    %swap3A_14 = arith.constant 0 : index
    %swap3A_15 = arith.constant 0 : index
    %swap3A_16 = arith.constant 0 : index
    %swap3A_17 = vector.load %arg5[%swap3A_14, %swap3A_15, %swap3A_16] : memref<1x1x128xf32, #tpu.memory_space<vmem>>, vector<1x1x128xf32>
    %swap3A_18 = vector.shape_cast %swap3A_17 : vector<1x1x128xf32> to vector<128xf32>
    %swap3A_19 = vector.shape_cast %reduce_sum3A_13 : vector<128xf32> to vector<1x1x128xf32>
    tpu.vector_store %arg5[%swap3A_14, %swap3A_15, %swap3A_16], %swap3A_19 {strides = array<i32>} : memref<1x1x128xf32, #tpu.memory_space<vmem>>, vector<1x1x128xf32>,
    return
  }
  func.func @transform_0(%arg0: i32) -> (i32, i32) {
    %c0_i32 = arith.constant 0 : i32
    %c0_i32_0 = arith.constant 0 : i32
    return %arg0, %c0_i32 : i32, i32
  }
  func.func @transform_1(%arg0: i32) -> (i32, i32) {
    %c0_i32 = arith.constant 0 : i32
    %c0_i32_0 = arith.constant 0 : i32
    return %arg0, %c0_i32 : i32, i32
  }
  func.func @transform_2(%arg0: i32) -> (i32, i32) {
    %c0_i32 = arith.constant 0 : i32
    %c0_i32_0 = arith.constant 0 : i32
    %c0_i32_1 = arith.constant 0 : i32
    return %c0_i32, %c0_i32_0 : i32, i32
  }
  func.func @transform_3(%arg0: i32) -> (i32, i32) {
    %c0_i32 = arith.constant 0 : i32
    %c0_i32_0 = arith.constant 0 : i32
    return %arg0, %c0_i32 : i32, i32
  }
  func.func @transform_4(%arg0: i32) -> (i32, i32, i32) {
    %c0_i32 = arith.constant 0 : i32
    %c0_i32_0 = arith.constant 0 : i32
    %c0_i32_1 = arith.constant 0 : i32
    return %arg0, %c0_i32, %c0_i32_0 : i32, i32, i32
  }
}

module attributes {stable_mosaic.version = 14 : i64} {
  func.func @_sq_kernel(%arg0: i32, %arg1: memref<512x2048xbf16, #tpu.memory_space<vmem>>, %arg2: memref<2048x2048xbf16, #tpu.memory_space<vmem>>, %arg3: memref<512x2048xbf16, #tpu.memory_space<vmem>>) attributes {dimension_semantics = [#tpu.dimension_semantics<arbitrary>], iteration_bounds = array<i64: 4>, scalar_prefetch = 0 : i64, scratch_operands = 0 : i64, tpu.core_type = #tpu.core_type<tc>, window_params = [{transform_indices = @transform_0, window_bounds = array<i64: 512, 2048>}, {pipeline_mode = #tpu.pipeline_mode<synchronous>, transform_indices = @transform_1, window_bounds = array<i64: 2048, 2048>}, {transform_indices = @transform_2, window_bounds = array<i64: 512, 2048>}]} {
    %get3A = arith.constant 0 : index
    %get3A_0 = arith.constant 0 : index
    %get3A_1 = vector.load %arg1[%get3A, %get3A_0] : memref<512x2048xbf16, #tpu.memory_space<vmem>>, vector<512x2048xbf16>
    %get3A_2 = arith.constant 0 : index
    %get3A_3 = arith.constant 0 : index
    %get3A_4 = vector.load %arg2[%get3A_2, %get3A_3] : memref<2048x2048xbf16, #tpu.memory_space<vmem>>, vector<2048x2048xbf16>
    %dot_general3A = arith.constant dense<0.000000e+00> : vector<512x2048xf32>
    %dot_general3A_5 = tpu.matmul %get3A_1, %get3A_4, %dot_general3A {dimension_numbers = #tpu.dot_dimension_numbers<[1], [0], [0], [1], [0, 0, 1, 1], [], []>, transpose_lhs_hint = false} : vector<512x2048xbf16>, vector<2048x2048xbf16>, vector<512x2048xf32> -> vector<512x2048xf32>
    %convert_element_type3A = arith.truncf %dot_general3A_5 : vector<512x2048xf32> to vector<512x2048xbf16>
    %swap3A = arith.constant 0 : index
    %swap3A_6 = arith.constant 0 : index
    %swap3A_7 = vector.load %arg3[%swap3A, %swap3A_6] : memref<512x2048xbf16, #tpu.memory_space<vmem>>, vector<512x2048xbf16>
    tpu.vector_store %arg3[%swap3A, %swap3A_6], %convert_element_type3A {strides = array<i32>} : memref<512x2048xbf16, #tpu.memory_space<vmem>>, vector<512x2048xbf16>,
    return
  }
  func.func @transform_0(%arg0: i32) -> (i32, i32) {
    %c0_i32 = arith.constant 0 : i32
    %c0_i32_0 = arith.constant 0 : i32
    return %arg0, %c0_i32 : i32, i32
  }
  func.func @transform_1(%arg0: i32) -> (i32, i32) {
    %c0_i32 = arith.constant 0 : i32
    %c0_i32_0 = arith.constant 0 : i32
    %c0_i32_1 = arith.constant 0 : i32
    return %c0_i32, %c0_i32_0 : i32, i32
  }
  func.func @transform_2(%arg0: i32) -> (i32, i32) {
    %c0_i32 = arith.constant 0 : i32
    %c0_i32_0 = arith.constant 0 : i32
    return %arg0, %c0_i32 : i32, i32
  }
}

module attributes {stable_mosaic.version = 14 : i64} {
  func.func @_pairdense_kernel(%arg0: i32, %arg1: memref<2048x2048xbf16, #tpu.memory_space<vmem>>, %arg2: memref<1x2048x512xbf16, #tpu.memory_space<vmem>>, %arg3: memref<2048x128xf32, #tpu.memory_space<vmem>>, %arg4: memref<1x512xf32, #tpu.memory_space<vmem>>, %arg5: memref<1x512xf32, #tpu.memory_space<vmem>>, %arg6: memref<512x256xbf16, #tpu.memory_space<vmem>>, %arg7: memref<1x2048x256xbf16, #tpu.memory_space<vmem>>) attributes {dimension_semantics = [#tpu.dimension_semantics<arbitrary>], iteration_bounds = array<i64: 8>, scalar_prefetch = 0 : i64, scratch_operands = 0 : i64, tpu.core_type = #tpu.core_type<tc>, window_params = [{pipeline_mode = #tpu.pipeline_mode<synchronous>, transform_indices = @transform_0, window_bounds = array<i64: 2048, 2048>}, {transform_indices = @transform_1, window_bounds = array<i64: 1, 2048, 512>}, {pipeline_mode = #tpu.pipeline_mode<synchronous>, transform_indices = @transform_2, window_bounds = array<i64: 2048, 128>}, {pipeline_mode = #tpu.pipeline_mode<synchronous>, transform_indices = @transform_3, window_bounds = array<i64: 1, 512>}, {pipeline_mode = #tpu.pipeline_mode<synchronous>, transform_indices = @transform_4, window_bounds = array<i64: 1, 512>}, {pipeline_mode = #tpu.pipeline_mode<synchronous>, transform_indices = @transform_5, window_bounds = array<i64: 512, 256>}, {transform_indices = @transform_6, window_bounds = array<i64: 1, 2048, 256>}]} {
    %get3A = arith.constant 0 : index
    %get3A_0 = arith.constant 0 : index
    %get3A_1 = vector.load %arg1[%get3A, %get3A_0] : memref<2048x2048xbf16, #tpu.memory_space<vmem>>, vector<2048x2048xbf16>
    %get3A_2 = arith.constant 0 : index
    %get3A_3 = arith.constant 0 : index
    %get3A_4 = arith.constant 0 : index
    %get3A_5 = vector.load %arg2[%get3A_2, %get3A_3, %get3A_4] : memref<1x2048x512xbf16, #tpu.memory_space<vmem>>, vector<1x2048x512xbf16>
    %get3A_6 = vector.shape_cast %get3A_5 : vector<1x2048x512xbf16> to vector<2048x512xbf16>
    %dot_general3A = arith.constant dense<0.000000e+00> : vector<2048x512xf32>
    %dot_general3A_7 = tpu.matmul %get3A_1, %get3A_6, %dot_general3A {dimension_numbers = #tpu.dot_dimension_numbers<[1], [0], [0], [1], [0, 0, 1, 1], [], []>, transpose_lhs_hint = false} : vector<2048x2048xbf16>, vector<2048x512xbf16>, vector<2048x512xf32> -> vector<2048x512xf32>
    %get3A_8 = arith.constant 0 : index
    %get3A_9 = arith.constant 0 : index
    %get3A_10 = vector.load %arg3[%get3A_8, %get3A_9] : memref<2048x128xf32, #tpu.memory_space<vmem>>, vector<2048x1xf32>
    %get3A_11 = arith.constant 0 : index
    %get3A_12 = arith.constant 0 : index
    %get3A_13 = vector.load %arg4[%get3A_11, %get3A_12] : memref<1x512xf32, #tpu.memory_space<vmem>>, vector<1x512xf32>
    %mul3A = vector.broadcast %get3A_10 : vector<2048x1xf32> to vector<2048x512xf32>
    %mul3A_14 = vector.broadcast %get3A_13 : vector<1x512xf32> to vector<2048x512xf32>
    %mul3A_15 = arith.mulf %mul3A, %mul3A_14 : vector<2048x512xf32>
    %add3A = arith.addf %dot_general3A_7, %mul3A_15 : vector<2048x512xf32>
    %get3A_16 = arith.constant 0 : index
    %get3A_17 = arith.constant 0 : index
    %get3A_18 = vector.load %arg5[%get3A_16, %get3A_17] : memref<1x512xf32, #tpu.memory_space<vmem>>, vector<1x512xf32>
    %add3A_19 = vector.broadcast %get3A_18 : vector<1x512xf32> to vector<2048x512xf32>
    %add3A_20 = arith.addf %add3A, %add3A_19 : vector<2048x512xf32>
    %ge3A = arith.constant 0.000000e+00 : f32
    %ge3A_21 = vector.broadcast %ge3A : f32 to vector<2048x512xf32>
    %ge3A_22 = arith.cmpf oge, %add3A_20, %ge3A_21 : vector<2048x512xf32>
    %mul3A_23 = arith.constant 0.00999999977 : f32
    %mul3A_24 = vector.broadcast %mul3A_23 : f32 to vector<2048x512xf32>
    %mul3A_25 = arith.mulf %mul3A_24, %add3A_20 : vector<2048x512xf32>
    %select_n3A = arith.select %ge3A_22, %add3A_20, %mul3A_25 : vector<2048x512xi1>, vector<2048x512xf32>
    %convert_element_type3A = arith.truncf %select_n3A : vector<2048x512xf32> to vector<2048x512xbf16>
    %get3A_26 = arith.constant 0 : index
    %get3A_27 = arith.constant 0 : index
    %get3A_28 = vector.load %arg6[%get3A_26, %get3A_27] : memref<512x256xbf16, #tpu.memory_space<vmem>>, vector<512x256xbf16>
    %dot_general3A_29 = arith.constant dense<0.000000e+00> : vector<2048x256xf32>
    %dot_general3A_30 = tpu.matmul %convert_element_type3A, %get3A_28, %dot_general3A_29 {dimension_numbers = #tpu.dot_dimension_numbers<[1], [0], [0], [1], [0, 0, 1, 1], [], []>, transpose_lhs_hint = false} : vector<2048x512xbf16>, vector<512x256xbf16>, vector<2048x256xf32> -> vector<2048x256xf32>
    %convert_element_type3A_31 = arith.truncf %dot_general3A_30 : vector<2048x256xf32> to vector<2048x256xbf16>
    %swap3A = arith.constant 0 : index
    %swap3A_32 = arith.constant 0 : index
    %swap3A_33 = arith.constant 0 : index
    %swap3A_34 = vector.load %arg7[%swap3A, %swap3A_32, %swap3A_33] : memref<1x2048x256xbf16, #tpu.memory_space<vmem>>, vector<1x2048x256xbf16>
    %swap3A_35 = vector.shape_cast %swap3A_34 : vector<1x2048x256xbf16> to vector<2048x256xbf16>
    %swap3A_36 = vector.shape_cast %convert_element_type3A_31 : vector<2048x256xbf16> to vector<1x2048x256xbf16>
    tpu.vector_store %arg7[%swap3A, %swap3A_32, %swap3A_33], %swap3A_36 {strides = array<i32>} : memref<1x2048x256xbf16, #tpu.memory_space<vmem>>, vector<1x2048x256xbf16>,
    return
  }
  func.func @transform_0(%arg0: i32) -> (i32, i32) {
    %c0_i32 = arith.constant 0 : i32
    %c0_i32_0 = arith.constant 0 : i32
    %c0_i32_1 = arith.constant 0 : i32
    return %c0_i32, %c0_i32_0 : i32, i32
  }
  func.func @transform_1(%arg0: i32) -> (i32, i32, i32) {
    %c0_i32 = arith.constant 0 : i32
    %c0_i32_0 = arith.constant 0 : i32
    %c0_i32_1 = arith.constant 0 : i32
    return %arg0, %c0_i32, %c0_i32_0 : i32, i32, i32
  }
  func.func @transform_2(%arg0: i32) -> (i32, i32) {
    %c0_i32 = arith.constant 0 : i32
    %c0_i32_0 = arith.constant 0 : i32
    %c0_i32_1 = arith.constant 0 : i32
    return %c0_i32, %c0_i32_0 : i32, i32
  }
  func.func @transform_3(%arg0: i32) -> (i32, i32) {
    %c0_i32 = arith.constant 0 : i32
    %c0_i32_0 = arith.constant 0 : i32
    %c0_i32_1 = arith.constant 0 : i32
    return %c0_i32, %c0_i32_0 : i32, i32
  }
  func.func @transform_4(%arg0: i32) -> (i32, i32) {
    %c0_i32 = arith.constant 0 : i32
    %c0_i32_0 = arith.constant 0 : i32
    %c0_i32_1 = arith.constant 0 : i32
    return %c0_i32, %c0_i32_0 : i32, i32
  }
  func.func @transform_5(%arg0: i32) -> (i32, i32) {
    %c0_i32 = arith.constant 0 : i32
    %c0_i32_0 = arith.constant 0 : i32
    %c0_i32_1 = arith.constant 0 : i32
    return %c0_i32, %c0_i32_0 : i32, i32
  }
  func.func @transform_6(%arg0: i32) -> (i32, i32, i32) {
    %c0_i32 = arith.constant 0 : i32
    %c0_i32_0 = arith.constant 0 : i32
    %c0_i32_1 = arith.constant 0 : i32
    return %arg0, %c0_i32, %c0_i32_0 : i32, i32, i32
  }
}

module attributes {stable_mosaic.version = 14 : i64} {
  func.func @_pairdense_kernel(%arg0: i32, %arg1: memref<2048x2048xbf16, #tpu.memory_space<vmem>>, %arg2: memref<1x2048x256xbf16, #tpu.memory_space<vmem>>, %arg3: memref<2048x128xf32, #tpu.memory_space<vmem>>, %arg4: memref<1x256xf32, #tpu.memory_space<vmem>>, %arg5: memref<1x256xf32, #tpu.memory_space<vmem>>, %arg6: memref<256x128xbf16, #tpu.memory_space<vmem>>, %arg7: memref<1x2048x128xbf16, #tpu.memory_space<vmem>>) attributes {dimension_semantics = [#tpu.dimension_semantics<arbitrary>], iteration_bounds = array<i64: 8>, scalar_prefetch = 0 : i64, scratch_operands = 0 : i64, tpu.core_type = #tpu.core_type<tc>, window_params = [{pipeline_mode = #tpu.pipeline_mode<synchronous>, transform_indices = @transform_0, window_bounds = array<i64: 2048, 2048>}, {transform_indices = @transform_1, window_bounds = array<i64: 1, 2048, 256>}, {pipeline_mode = #tpu.pipeline_mode<synchronous>, transform_indices = @transform_2, window_bounds = array<i64: 2048, 128>}, {pipeline_mode = #tpu.pipeline_mode<synchronous>, transform_indices = @transform_3, window_bounds = array<i64: 1, 256>}, {pipeline_mode = #tpu.pipeline_mode<synchronous>, transform_indices = @transform_4, window_bounds = array<i64: 1, 256>}, {pipeline_mode = #tpu.pipeline_mode<synchronous>, transform_indices = @transform_5, window_bounds = array<i64: 256, 128>}, {transform_indices = @transform_6, window_bounds = array<i64: 1, 2048, 128>}]} {
    %get3A = arith.constant 0 : index
    %get3A_0 = arith.constant 0 : index
    %get3A_1 = vector.load %arg1[%get3A, %get3A_0] : memref<2048x2048xbf16, #tpu.memory_space<vmem>>, vector<2048x2048xbf16>
    %get3A_2 = arith.constant 0 : index
    %get3A_3 = arith.constant 0 : index
    %get3A_4 = arith.constant 0 : index
    %get3A_5 = vector.load %arg2[%get3A_2, %get3A_3, %get3A_4] : memref<1x2048x256xbf16, #tpu.memory_space<vmem>>, vector<1x2048x256xbf16>
    %get3A_6 = vector.shape_cast %get3A_5 : vector<1x2048x256xbf16> to vector<2048x256xbf16>
    %dot_general3A = arith.constant dense<0.000000e+00> : vector<2048x256xf32>
    %dot_general3A_7 = tpu.matmul %get3A_1, %get3A_6, %dot_general3A {dimension_numbers = #tpu.dot_dimension_numbers<[1], [0], [0], [1], [0, 0, 1, 1], [], []>, transpose_lhs_hint = false} : vector<2048x2048xbf16>, vector<2048x256xbf16>, vector<2048x256xf32> -> vector<2048x256xf32>
    %get3A_8 = arith.constant 0 : index
    %get3A_9 = arith.constant 0 : index
    %get3A_10 = vector.load %arg3[%get3A_8, %get3A_9] : memref<2048x128xf32, #tpu.memory_space<vmem>>, vector<2048x1xf32>
    %get3A_11 = arith.constant 0 : index
    %get3A_12 = arith.constant 0 : index
    %get3A_13 = vector.load %arg4[%get3A_11, %get3A_12] : memref<1x256xf32, #tpu.memory_space<vmem>>, vector<1x256xf32>
    %mul3A = vector.broadcast %get3A_10 : vector<2048x1xf32> to vector<2048x256xf32>
    %mul3A_14 = vector.broadcast %get3A_13 : vector<1x256xf32> to vector<2048x256xf32>
    %mul3A_15 = arith.mulf %mul3A, %mul3A_14 : vector<2048x256xf32>
    %add3A = arith.addf %dot_general3A_7, %mul3A_15 : vector<2048x256xf32>
    %get3A_16 = arith.constant 0 : index
    %get3A_17 = arith.constant 0 : index
    %get3A_18 = vector.load %arg5[%get3A_16, %get3A_17] : memref<1x256xf32, #tpu.memory_space<vmem>>, vector<1x256xf32>
    %add3A_19 = vector.broadcast %get3A_18 : vector<1x256xf32> to vector<2048x256xf32>
    %add3A_20 = arith.addf %add3A, %add3A_19 : vector<2048x256xf32>
    %ge3A = arith.constant 0.000000e+00 : f32
    %ge3A_21 = vector.broadcast %ge3A : f32 to vector<2048x256xf32>
    %ge3A_22 = arith.cmpf oge, %add3A_20, %ge3A_21 : vector<2048x256xf32>
    %mul3A_23 = arith.constant 0.00999999977 : f32
    %mul3A_24 = vector.broadcast %mul3A_23 : f32 to vector<2048x256xf32>
    %mul3A_25 = arith.mulf %mul3A_24, %add3A_20 : vector<2048x256xf32>
    %select_n3A = arith.select %ge3A_22, %add3A_20, %mul3A_25 : vector<2048x256xi1>, vector<2048x256xf32>
    %convert_element_type3A = arith.truncf %select_n3A : vector<2048x256xf32> to vector<2048x256xbf16>
    %get3A_26 = arith.constant 0 : index
    %get3A_27 = arith.constant 0 : index
    %get3A_28 = vector.load %arg6[%get3A_26, %get3A_27] : memref<256x128xbf16, #tpu.memory_space<vmem>>, vector<256x128xbf16>
    %dot_general3A_29 = arith.constant dense<0.000000e+00> : vector<2048x128xf32>
    %dot_general3A_30 = tpu.matmul %convert_element_type3A, %get3A_28, %dot_general3A_29 {dimension_numbers = #tpu.dot_dimension_numbers<[1], [0], [0], [1], [0, 0, 1, 1], [], []>, transpose_lhs_hint = false} : vector<2048x256xbf16>, vector<256x128xbf16>, vector<2048x128xf32> -> vector<2048x128xf32>
    %convert_element_type3A_31 = arith.truncf %dot_general3A_30 : vector<2048x128xf32> to vector<2048x128xbf16>
    %swap3A = arith.constant 0 : index
    %swap3A_32 = arith.constant 0 : index
    %swap3A_33 = arith.constant 0 : index
    %swap3A_34 = vector.load %arg7[%swap3A, %swap3A_32, %swap3A_33] : memref<1x2048x128xbf16, #tpu.memory_space<vmem>>, vector<1x2048x128xbf16>
    %swap3A_35 = vector.shape_cast %swap3A_34 : vector<1x2048x128xbf16> to vector<2048x128xbf16>
    %swap3A_36 = vector.shape_cast %convert_element_type3A_31 : vector<2048x128xbf16> to vector<1x2048x128xbf16>
    tpu.vector_store %arg7[%swap3A, %swap3A_32, %swap3A_33], %swap3A_36 {strides = array<i32>} : memref<1x2048x128xbf16, #tpu.memory_space<vmem>>, vector<1x2048x128xbf16>,
    return
  }
  func.func @transform_0(%arg0: i32) -> (i32, i32) {
    %c0_i32 = arith.constant 0 : i32
    %c0_i32_0 = arith.constant 0 : i32
    %c0_i32_1 = arith.constant 0 : i32
    return %c0_i32, %c0_i32_0 : i32, i32
  }
  func.func @transform_1(%arg0: i32) -> (i32, i32, i32) {
    %c0_i32 = arith.constant 0 : i32
    %c0_i32_0 = arith.constant 0 : i32
    %c0_i32_1 = arith.constant 0 : i32
    return %arg0, %c0_i32, %c0_i32_0 : i32, i32, i32
  }
  func.func @transform_2(%arg0: i32) -> (i32, i32) {
    %c0_i32 = arith.constant 0 : i32
    %c0_i32_0 = arith.constant 0 : i32
    %c0_i32_1 = arith.constant 0 : i32
    return %c0_i32, %c0_i32_0 : i32, i32
  }
  func.func @transform_3(%arg0: i32) -> (i32, i32) {
    %c0_i32 = arith.constant 0 : i32
    %c0_i32_0 = arith.constant 0 : i32
    %c0_i32_1 = arith.constant 0 : i32
    return %c0_i32, %c0_i32_0 : i32, i32
  }
  func.func @transform_4(%arg0: i32) -> (i32, i32) {
    %c0_i32 = arith.constant 0 : i32
    %c0_i32_0 = arith.constant 0 : i32
    %c0_i32_1 = arith.constant 0 : i32
    return %c0_i32, %c0_i32_0 : i32, i32
  }
  func.func @transform_5(%arg0: i32) -> (i32, i32) {
    %c0_i32 = arith.constant 0 : i32
    %c0_i32_0 = arith.constant 0 : i32
    %c0_i32_1 = arith.constant 0 : i32
    return %c0_i32, %c0_i32_0 : i32, i32
  }
  func.func @transform_6(%arg0: i32) -> (i32, i32, i32) {
    %c0_i32 = arith.constant 0 : i32
    %c0_i32_0 = arith.constant 0 : i32
    %c0_i32_1 = arith.constant 0 : i32
    return %arg0, %c0_i32, %c0_i32_0 : i32, i32, i32
  }
}

module attributes {stable_mosaic.version = 14 : i64} {
  func.func @_pair_kernel(%arg0: i32, %arg1: memref<2048x2048xbf16, #tpu.memory_space<vmem>>, %arg2: memref<1x2048x128xbf16, #tpu.memory_space<vmem>>, %arg3: memref<2048x128xf32, #tpu.memory_space<vmem>>, %arg4: memref<1x128xf32, #tpu.memory_space<vmem>>, %arg5: memref<1x128xf32, #tpu.memory_space<vmem>>, %arg6: memref<1x2048x128xf32, #tpu.memory_space<vmem>>) attributes {dimension_semantics = [#tpu.dimension_semantics<arbitrary>], iteration_bounds = array<i64: 8>, scalar_prefetch = 0 : i64, scratch_operands = 0 : i64, tpu.core_type = #tpu.core_type<tc>, window_params = [{pipeline_mode = #tpu.pipeline_mode<synchronous>, transform_indices = @transform_0, window_bounds = array<i64: 2048, 2048>}, {transform_indices = @transform_1, window_bounds = array<i64: 1, 2048, 128>}, {pipeline_mode = #tpu.pipeline_mode<synchronous>, transform_indices = @transform_2, window_bounds = array<i64: 2048, 128>}, {pipeline_mode = #tpu.pipeline_mode<synchronous>, transform_indices = @transform_3, window_bounds = array<i64: 1, 128>}, {pipeline_mode = #tpu.pipeline_mode<synchronous>, transform_indices = @transform_4, window_bounds = array<i64: 1, 128>}, {transform_indices = @transform_5, window_bounds = array<i64: 1, 2048, 128>}]} {
    %get3A = arith.constant 0 : index
    %get3A_0 = arith.constant 0 : index
    %get3A_1 = vector.load %arg1[%get3A, %get3A_0] : memref<2048x2048xbf16, #tpu.memory_space<vmem>>, vector<2048x2048xbf16>
    %get3A_2 = arith.constant 0 : index
    %get3A_3 = arith.constant 0 : index
    %get3A_4 = arith.constant 0 : index
    %get3A_5 = vector.load %arg2[%get3A_2, %get3A_3, %get3A_4] : memref<1x2048x128xbf16, #tpu.memory_space<vmem>>, vector<1x2048x128xbf16>
    %get3A_6 = vector.shape_cast %get3A_5 : vector<1x2048x128xbf16> to vector<2048x128xbf16>
    %dot_general3A = arith.constant dense<0.000000e+00> : vector<2048x128xf32>
    %dot_general3A_7 = tpu.matmul %get3A_1, %get3A_6, %dot_general3A {dimension_numbers = #tpu.dot_dimension_numbers<[1], [0], [0], [1], [0, 0, 1, 1], [], []>, transpose_lhs_hint = false} : vector<2048x2048xbf16>, vector<2048x128xbf16>, vector<2048x128xf32> -> vector<2048x128xf32>
    %get3A_8 = arith.constant 0 : index
    %get3A_9 = arith.constant 0 : index
    %get3A_10 = vector.load %arg3[%get3A_8, %get3A_9] : memref<2048x128xf32, #tpu.memory_space<vmem>>, vector<2048x1xf32>
    %get3A_11 = arith.constant 0 : index
    %get3A_12 = arith.constant 0 : index
    %get3A_13 = vector.load %arg4[%get3A_11, %get3A_12] : memref<1x128xf32, #tpu.memory_space<vmem>>, vector<1x128xf32>
    %mul3A = vector.broadcast %get3A_10 : vector<2048x1xf32> to vector<2048x128xf32>
    %mul3A_14 = vector.broadcast %get3A_13 : vector<1x128xf32> to vector<2048x128xf32>
    %mul3A_15 = arith.mulf %mul3A, %mul3A_14 : vector<2048x128xf32>
    %add3A = arith.addf %dot_general3A_7, %mul3A_15 : vector<2048x128xf32>
    %get3A_16 = arith.constant 0 : index
    %get3A_17 = arith.constant 0 : index
    %get3A_18 = vector.load %arg5[%get3A_16, %get3A_17] : memref<1x128xf32, #tpu.memory_space<vmem>>, vector<1x128xf32>
    %add3A_19 = vector.broadcast %get3A_18 : vector<1x128xf32> to vector<2048x128xf32>
    %add3A_20 = arith.addf %add3A, %add3A_19 : vector<2048x128xf32>
    %ge3A = arith.constant 0.000000e+00 : f32
    %ge3A_21 = vector.broadcast %ge3A : f32 to vector<2048x128xf32>
    %ge3A_22 = arith.cmpf oge, %add3A_20, %ge3A_21 : vector<2048x128xf32>
    %mul3A_23 = arith.constant 0.00999999977 : f32
    %mul3A_24 = vector.broadcast %mul3A_23 : f32 to vector<2048x128xf32>
    %mul3A_25 = arith.mulf %mul3A_24, %add3A_20 : vector<2048x128xf32>
    %select_n3A = arith.select %ge3A_22, %add3A_20, %mul3A_25 : vector<2048x128xi1>, vector<2048x128xf32>
    %swap3A = arith.constant 0 : index
    %swap3A_26 = arith.constant 0 : index
    %swap3A_27 = arith.constant 0 : index
    %swap3A_28 = vector.load %arg6[%swap3A, %swap3A_26, %swap3A_27] : memref<1x2048x128xf32, #tpu.memory_space<vmem>>, vector<1x2048x128xf32>
    %swap3A_29 = vector.shape_cast %swap3A_28 : vector<1x2048x128xf32> to vector<2048x128xf32>
    %swap3A_30 = vector.shape_cast %select_n3A : vector<2048x128xf32> to vector<1x2048x128xf32>
    tpu.vector_store %arg6[%swap3A, %swap3A_26, %swap3A_27], %swap3A_30 {strides = array<i32>} : memref<1x2048x128xf32, #tpu.memory_space<vmem>>, vector<1x2048x128xf32>,
    return
  }
  func.func @transform_0(%arg0: i32) -> (i32, i32) {
    %c0_i32 = arith.constant 0 : i32
    %c0_i32_0 = arith.constant 0 : i32
    %c0_i32_1 = arith.constant 0 : i32
    return %c0_i32, %c0_i32_0 : i32, i32
  }
  func.func @transform_1(%arg0: i32) -> (i32, i32, i32) {
    %c0_i32 = arith.constant 0 : i32
    %c0_i32_0 = arith.constant 0 : i32
    %c0_i32_1 = arith.constant 0 : i32
    return %arg0, %c0_i32, %c0_i32_0 : i32, i32, i32
  }
  func.func @transform_2(%arg0: i32) -> (i32, i32) {
    %c0_i32 = arith.constant 0 : i32
    %c0_i32_0 = arith.constant 0 : i32
    %c0_i32_1 = arith.constant 0 : i32
    return %c0_i32, %c0_i32_0 : i32, i32
  }
  func.func @transform_3(%arg0: i32) -> (i32, i32) {
    %c0_i32 = arith.constant 0 : i32
    %c0_i32_0 = arith.constant 0 : i32
    %c0_i32_1 = arith.constant 0 : i32
    return %c0_i32, %c0_i32_0 : i32, i32
  }
  func.func @transform_4(%arg0: i32) -> (i32, i32) {
    %c0_i32 = arith.constant 0 : i32
    %c0_i32_0 = arith.constant 0 : i32
    %c0_i32_1 = arith.constant 0 : i32
    return %c0_i32, %c0_i32_0 : i32, i32
  }
  func.func @transform_5(%arg0: i32) -> (i32, i32, i32) {
    %c0_i32 = arith.constant 0 : i32
    %c0_i32_0 = arith.constant 0 : i32
    %c0_i32_1 = arith.constant 0 : i32
    return %arg0, %c0_i32, %c0_i32_0 : i32, i32, i32
  }
}

module attributes {stable_mosaic.version = 14 : i64} {
  func.func @_dec_kernel(%arg0: i32, %arg1: memref<8x6144xf32, #tpu.memory_space<vmem>>, %arg2: memref<6144x512xf32, #tpu.memory_space<vmem>>, %arg3: memref<1x512xf32, #tpu.memory_space<vmem>>, %arg4: memref<8x512xf32, #tpu.memory_space<vmem>>) attributes {dimension_semantics = [#tpu.dimension_semantics<arbitrary>], iteration_bounds = array<i64: 12>, scalar_prefetch = 0 : i64, scratch_operands = 0 : i64, tpu.core_type = #tpu.core_type<tc>, window_params = [{pipeline_mode = #tpu.pipeline_mode<synchronous>, transform_indices = @transform_0, window_bounds = array<i64: 8, 6144>}, {transform_indices = @transform_1, window_bounds = array<i64: 6144, 512>}, {transform_indices = @transform_2, window_bounds = array<i64: 1, 512>}, {transform_indices = @transform_3, window_bounds = array<i64: 8, 512>}]} {
    %get3A = arith.constant 0 : index
    %get3A_0 = arith.constant 0 : index
    %get3A_1 = vector.load %arg1[%get3A, %get3A_0] : memref<8x6144xf32, #tpu.memory_space<vmem>>, vector<8x6144xf32>
    %get3A_2 = arith.constant 0 : index
    %get3A_3 = arith.constant 0 : index
    %get3A_4 = vector.load %arg2[%get3A_2, %get3A_3] : memref<6144x512xf32, #tpu.memory_space<vmem>>, vector<6144x512xf32>
    %dot_general3A = arith.constant dense<0.000000e+00> : vector<8x512xf32>
    %dot_general3A_5 = tpu.matmul %get3A_1, %get3A_4, %dot_general3A {dimension_numbers = #tpu.dot_dimension_numbers<[1], [0], [0], [1], [0, 0, 1, 1], [], []>, transpose_lhs_hint = false} : vector<8x6144xf32>, vector<6144x512xf32>, vector<8x512xf32> -> vector<8x512xf32>
    %get3A_6 = arith.constant 0 : index
    %get3A_7 = arith.constant 0 : index
    %get3A_8 = vector.load %arg3[%get3A_6, %get3A_7] : memref<1x512xf32, #tpu.memory_space<vmem>>, vector<1x512xf32>
    %add3A = vector.broadcast %get3A_8 : vector<1x512xf32> to vector<8x512xf32>
    %add3A_9 = arith.addf %dot_general3A_5, %add3A : vector<8x512xf32>
    %tanh3A = math.tanh %add3A_9 : vector<8x512xf32>
    %mul3A = arith.constant 1.000000e-01 : f32
    %mul3A_10 = vector.broadcast %mul3A : f32 to vector<8x512xf32>
    %mul3A_11 = arith.mulf %tanh3A, %mul3A_10 : vector<8x512xf32>
    %swap3A = arith.constant 0 : index
    %swap3A_12 = arith.constant 0 : index
    %swap3A_13 = vector.load %arg4[%swap3A, %swap3A_12] : memref<8x512xf32, #tpu.memory_space<vmem>>, vector<8x512xf32>
    tpu.vector_store %arg4[%swap3A, %swap3A_12], %mul3A_11 {strides = array<i32>} : memref<8x512xf32, #tpu.memory_space<vmem>>, vector<8x512xf32>,
    return
  }
  func.func @transform_0(%arg0: i32) -> (i32, i32) {
    %c0_i32 = arith.constant 0 : i32
    %c0_i32_0 = arith.constant 0 : i32
    %c0_i32_1 = arith.constant 0 : i32
    return %c0_i32, %c0_i32_0 : i32, i32
  }
  func.func @transform_1(%arg0: i32) -> (i32, i32) {
    %c0_i32 = arith.constant 0 : i32
    %c0_i32_0 = arith.constant 0 : i32
    return %c0_i32, %arg0 : i32, i32
  }
  func.func @transform_2(%arg0: i32) -> (i32, i32) {
    %c0_i32 = arith.constant 0 : i32
    %c0_i32_0 = arith.constant 0 : i32
    return %c0_i32, %arg0 : i32, i32
  }
  func.func @transform_3(%arg0: i32) -> (i32, i32) {
    %c0_i32 = arith.constant 0 : i32
    %c0_i32_0 = arith.constant 0 : i32
    return %c0_i32, %arg0 : i32, i32
  }
}

</mosaic_0001>

<sc_bundles>
// kernel: kernel.15.cloned.1.call-start
scs
__scs_entry_jumppad:
0x0: {  	(pc) =	sbr.rel $0x88, $3  }
0x1: {  	(tag) =	ssettag $0x0;
	lr =	simm.s32 $0x1  }
0x2: {  	[smem:$0x3F8F] =	sst lr;
	_ =	strace $0xD0000000  }
0x3: {  	_ = 	snop  }
0x4: {  	_ = 	snop  }
0x5: {  	_ = 	snop  }
0x6: {  	_ = 	snop  }
0x7: {  	_ = 	snop  }
__scs_overlays_trampoline_lowered:
0x8: {  	[smem:$0x3F9E] =	sst s0  }
0x9: {  	[smem:$0x3F9F] =	sst s1  }
0xa: {  	[smem:$0x3FA0] =	sst s2  }
0xb: {  	[smem:$0x3FA1] =	sst s3  }
0xc: {  	[smem:$0x3FA2] =	sst s4  }
0xd: {  	[smem:$0x3FA3] =	sst s5  }
0xe: {  	[smem:$0x3FA4] =	sst s6  }
0xf: {  	[smem:$0x3FA5] =	sst s7  }
0x10: {  	[smem:$0x3FA6] =	sst s8  }
0x11: {  	[smem:$0x3FA7] =	sst s9;
	s0 =	simm.s32 @!p0 $0x0  }
0x12: {  	s1 =	sld [smem:$0x3F8D];
	s0 =	simm.s32 @p0 $0x1  }
0x13: {  	[smem:$0x3FA8] =	sst s0;
	s0 =	simm.s32 @!p1 $0x0  }
0x14: {  	s2 =	sld [smem:$0x3F8C];
	s0 =	simm.s32 @p1 $0x1  }
0x15: {  	[smem:$0x3FA9] =	sst s0;
	s0 =	simm.s32 @!p2 $0x0  }
0x16: {  	s3 =	sld [smem:$0x3FDB];
	s0 =	simm.s32 @p2 $0x1  }
0x17: {  	s4 =	simm.s32 $0x1BF5;
	[smem:$0x3FAB] =	sst s0  }
0x18: {  	s0 =	sld [smem:$0x3F8E];
	_ =	swait.ge [sflag:s4], $0x0  }
0x19: {  	s7 =	sld [smem:$0x3F8F]  }
0x1a: {  	s8 =	sadd.s32 $0xFFFFE003, lr  }
0x1b: {  	s9 =	sadd.s32 $0xFFFFFEF7, lr;
	s5 =	simm.s32 $0xFFFFFFFF;
	p2 =	slt.u32 s8, $0xFFFFF086  }
0x1c: {  	p1 =	slt.u32 s9, $0xF7A;
	s5 =	simm.s32 @!p2 $0x0  }
0x1d: {  	s5 =	simm.s32 @p1 $0x1;
	p0 =	seq.s32 s7, s2  }
0x1e: {  	s7 =	smul.u32 @!p0 $0xF7A, s2;
	p2 =	seq.s32 @!p0 s5, $0x0  }
0x1f: {  	s9 =	smul.u32 $0xF7A, s1;
	s8 =	simm.s32 @!p0 $0x1BF5;
	p2 =	por !p2, p0  }
0x20: {  	[sflag:s8] =	ssyncset.s32 @!p0 $0xFFFFF086;
	s6 =	sadd.s32 @!p0 s3, s7;
	s7 =	simm.s32 @!p0 $0x108  }
0x21: {  	s3 =	sadd.s32 s3, s9;
	s6 =	sadd.s32 @!p0 $0x88, s6;
	s7 =	simm.s32 @p2 $0x1082  }
0x22: {  	[simem:s7], [sflag:s8] =	dma.local @!p0 [hbm:s6], $0xF7A  }
0x23: {  	s9 =	sor.u32 $0xD0000000, s2;
	s6 =	simm.s32 $0x108;
	_ =	swait.ge @!p0 [sflag:s8], $0x0  }
0x24: {  	s3 =	sadd.s32 $0x88, s3;
	s6 =	simm.s32 @!p1 $0x1082;
	[sflag:s4] =	ssyncset.s32 $0xFFFFF086  }
0x25: {  	[simem:s6], [sflag:s4] =	dma.local [hbm:s3], $0xF7A  }
0x26: {  	[smem:$0x3F8F] =	sst s1;
	(tag) =	ssettag s2;
	_ =	strace s9  }
0x27: {  	s1 =	sld [smem:$0x3F9F]  }
0x28: {  	s2 =	sld [smem:$0x3FA0]  }
0x29: {  	s4 =	sld [smem:$0x3FA2]  }
0x2a: {  	p0 =	seq.s32 s5, $0x0;
	s5 =	sld [smem:$0x3FA3]  }
0x2b: {  	s6 =	sld [smem:$0x3FA4]  }
0x2c: {  	s7 =	sld [smem:$0x3FA5]  }
0x2d: {  	s3 =	simm.s32 $0x108;
	s8 =	sld [smem:$0x3FA6]  }
0x2e: {  	s3 =	simm.s32 @!p0 $0x1082;
	s9 =	sld [smem:$0x3FA7]  }
0x2f: {  	lr =	sadd.s32 s0, s3;
	s0 =	sld [smem:$0x3F9E]  }
0x30: {  	s3 =	sld [smem:$0x3FA1]  }
0x31: {  	[smem:$0x3FAA] =	sst s10  }
0x32: {  	s10 =	sld [smem:$0x3FA8];
	_ =	sdelay $0x3  }
0x33: {  	p0 =	seq.s32 s10, $0x1;
	s10 =	sld [smem:$0x3FAA];
	_ =	sdelay $0x3  }
0x34: {  	[smem:$0x3FAA] =	sst s10  }
0x35: {  	s10 =	sld [smem:$0x3FA9];
	_ =	sdelay $0x3  }
0x36: {  	p1 =	seq.s32 s10, $0x1;
	s10 =	sld [smem:$0x3FAA];
	_ =	sdelay $0x3  }
0x37: {  	[smem:$0x3FAA] =	sst s10  }
0x38: {  	s10 =	sld [smem:$0x3FAB]  }
0x39: {  	_ = 	snop;
	(pc) =	sbr.ind lr, $3  }
0x3a: {  	_ = 	snop  }
0x3b: {  	_ = 	snop  }
0x3c: {  	p2 =	seq.s32 s10, $0x1;
	s10 =	sld [smem:$0x3FAA]  }
0x3d: {  	_ =	shalt  }
0x3e: {  	_ =	shalt  }
0x3f: {  	_ =	shalt  }
0x40: {  	_ =	shalt  }
0x41: {  	_ =	shalt  }
0x42: {  	_ =	shalt  }
0x43: {  	_ =	shalt  }
0x44: {  	_ =	shalt  }
0x45: {  	_ =	shalt  }
0x46: {  	_ =	shalt  }
0x47: {  	_ =	shalt  }
0x48: {  	_ =	shalt  }
0x49: {  	_ =	shalt  }
0x4a: {  	_ =	shalt  }
0x4b: {  	_ =	shalt  }
0x4c: {  	_ =	shalt  }
0x4d: {  	_ =	shalt  }
0x4e: {  	_ =	shalt  }
0x4f: {  	_ =	shalt  }
0x50: {  	_ =	shalt  }
0x51: {  	_ =	shalt  }
0x52: {  	_ =	shalt  }
0x53: {  	_ =	shalt  }
0x54: {  	_ =	shalt  }
0x55: {  	_ =	shalt  }
0x56: {  	_ =	shalt  }
0x57: {  	_ =	shalt  }
0x58: {  	_ =	shalt  }
0x59: {  	_ =	shalt  }
0x5a: {  	_ =	shalt  }
0x5b: {  	_ =	shalt  }
0x5c: {  	_ =	shalt  }
0x5d: {  	_ =	shalt  }
0x5e: {  	_ =	shalt  }
0x5f: {  	_ =	shalt  }
0x60: {  	_ =	shalt  }
0x61: {  	_ =	shalt  }
0x62: {  	_ =	shalt  }
0x63: {  	_ =	shalt  }
0x64: {  	_ =	shalt  }
0x65: {  	_ =	shalt  }
0x66: {  	_ =	shalt  }
0x67: {  	_ =	shalt  }
0x68: {  	_ =	shalt  }
0x69: {  	_ =	shalt  }
0x6a: {  	_ =	shalt  }
0x6b: {  	_ =	shalt  }
0x6c: {  	_ =	shalt  }
0x6d: {  	_ =	shalt  }
0x6e: {  	_ =	shalt  }
0x6f: {  	_ =	shalt  }
0x70: {  	_ =	shalt  }
0x71: {  	_ =	shalt  }
0x72: {  	_ =	shalt  }
0x73: {  	_ =	shalt  }
0x74: {  	_ =	shalt  }
0x75: {  	_ =	shalt  }
0x76: {  	_ =	shalt  }
0x77: {  	_ =	shalt  }
0x78: {  	_ =	shalt  }
0x79: {  	_ =	shalt  }
0x7a: {  	_ =	shalt  }
0x7b: {  	_ =	shalt  }
0x7c: {  	_ =	shalt  }
0x7d: {  	_ =	shalt  }
0x7e: {  	_ =	shalt  }
0x7f: {  	_ =	shalt  }
0x80: {  	_ =	shalt  }
0x81: {  	_ =	shalt  }
0x82: {  	_ =	shalt  }
0x83: {  	_ =	shalt  }
0x84: {  	_ =	shalt  }
0x85: {  	_ =	shalt  }
0x86: {  	_ =	shalt  }
0x87: {  	_ =	shalt  }
.Lfunc_end0:
.L_simem_size_0:
called_computation_lowered:
.L_overlay_start_0:
0x88: {  	s2 =	sld [smem:$0x3FD9]  }
0x89: {  	s3 =	sld [smem:$0x3FFE];
	_ =	sdelay $0x1  }
0x8a: {  	s1 =	srdreg.scid  }
0x8b: {  	s0 =	sand.u32 $0x1, s1  }
0x8c: {  	s17 =	sshll.u32 s0, $0xA;
	s2 =	sadd.s32 s3, s2  }
0x8d: {  	s2 =	sadd.s32 s2, s17  }
0x8e: {  	[smem:$0x3FB6] =	sst s2  }
0x8f: {  	_ = 	snop  }
0x90: {  	s2 =	sld [smem:$0x3FC6];
	(tm) =	ssettm $0x1  }
0x91: {  	s18 =	sld [smem:$0x3FFB];
	_ =	sdelay $0x3  }
0x92: {  	_ =	strace s18  }
0x93: {  	s3 =	sld [smem:$0x3FFC];
	_ =	sdelay $0x3  }
0x94: {  	_ =	strace s3  }
0x95: {  	s3 =	sld [smem:$0x3FFD];
	_ =	sdelay $0x3  }
0x96: {  	_ =	strace s3  }
0x97: {  	_ =	strace $0x8FFFFFFF  }
0x98: {  	s19 =	sld [smem:$0x3FDB];
	_ =	sdelay $0x1  }
0x99: {  	s4 =	simm.s32 $_scs_section_size  }
0x9a: {  	s5 =	simm.s32 $_size__tile_overlayer_lowered;
	s6 =	simm.s32 $_tile_overlayer_lowered  }
0x9b: {  	s22 =	simm.s32 $0x1BFF;
	s21 =	sshll.u32 s6, $0x1;
	s3 =	sadd.s32 s4, s19  }
0x9c: {  	s7 =	simm.s32 $0x0;
	s20 =	sshll.u32 s5, $0x1;
	s5 =	sadd.s32 s21, s3  }
0x9d: {  	[timem:s7], [sflag:s22] =	dma.local [hbm:s5], s20  }
0x9e: {  	_ =	swait.ge [sflag:s22], s20  }
0x9f: {  	s4 =	ssub.s32 $0x0, s20;
	[sflag:s22] =	ssyncset.done $0x0  }
0xa0: {  	[sflag:s22] =	ssyncadd.s32 s4;
	_ =	sdelay $0x1  }
0xa1: {  	s23 =	simm.s32 $0x1B8B  }
0xa2: {  	_ =	swait.ge [sflag:s23], $0x1  }
0xa3: {  	[sflag:s23] =	ssyncset.done $0x0  }
0xa4: {  	s25 =	simm.s32 $0x1B8E;
	s24 =	sld [smem:$0x3FFE];
	[sflag:s23] =	ssyncadd.s32 $0xFFFFFFFF  }
0xa5: {  	s26 =	simm.s32 $execute0_lowered;
	[smem:$0x3FD2] =	sst s25  }
0xa6: {  	s5 =	sshll.u32 s26, $0x1;
	_ =	strace $0x80000046;
	[dreg:$0x1] =	wrdreg $0xFFFFFFFF  }
0xa7: {  	s28 =	simm.s32 $_size_execute0_lowered;
	s3 =	sadd.s32 s3, s5;
	[dreg:$0x0] =	wrdreg $0x0  }
0xa8: {  	s5 =	sshll.u32 s28, $0x1;
	[dreg:$0x2] =	wrdreg s3  }
0xa9: {  	[dreg:$0x3] =	wrdreg s5  }
0xaa: {  	[dreg:$0x4] =	wrdreg $0xC0  }
0xab: {  	_ =	task [dreg:s7], $0x5FFFF  }
0xac: {  	[dreg:$0x1] =	wrdreg $0xFFFFFFFF  }
0xad: {  	[dreg:$0x0] =	wrdreg $0x60  }
0xae: {  	[dreg:$0x2] =	wrdreg s2  }
0xaf: {  	[dreg:$0x3] =	wrdreg s24  }
0xb0: {  	[dreg:$0x4] =	wrdreg $0x9  }
0xb1: {  	_ =	task.clear_ibuf [dreg:s7], $0x5FFFF;
	_ =	strace $0x90000046  }
0xb2: {  	s29 =	simm.s32 $0x9;
	_ =	strace $0x80000048  }
0xb3: {  	_ =	swait.ge [sflag:s29], $0x1  }
0xb4: {  	[sflag:s29] =	ssyncadd.s32 $0xFFFFFFFF  }
0xb5: {  	_ =	strace $0x90000048  }
0xb6: {  	_ =	sfence  }
0xb7: {  	s30 =	sld [smem:$0x0];
	_ =	sdelay $0x2  }
0xb8: {  	s31 =	sshll.u32 s1, $0xD;
	s1 =	sshrl.u32 s1, $0x2  }
0xb9: {  	s3 =	sand.u32 $0x4000, s31;
	s1 =	sadd.s32 s1, s30  }
0xba: {  	s0 =	sor.u32 s3, s0;
	s1 =	sshll.u32 s1, $0x11  }
0xbb: {  	s0 =	sor.u32 s1, s0  }
0xbc: {  	s0 =	sadd.s32 $0x8F2B, s0  }
0xbd: {  	[sflag:s0] =	ssyncadd.remote.s32 $0x1  }
0xbe: {  	_ =	sfence.sel $0xFFFF  }
0xbf: {  	[dreg:$0x0] =	wrdreg $0xFFFFFFFF;
	(pc) =	sbr.abs _section_cstart, $3  }
0xc0: {  	[dreg:$0x1] =	wrdreg $0xFFFFFFFF  }
0xc1: {  	_ =	task.clear_ibuf [dreg:s7], $0x2FFFF;
	_ =	strace $0x9FFFFFFF  }
0xc2: {  	(tm) =	ssettm $0x7FFFFFFF  }
0xc3: {  	_ =	shalt  }
tec
execute0_lowered:
.L_overlay_start_1:
0x0: {  	(tag) =	ssettag $0x1  }
0x1: {  	v0 =	vlaneseq.u32  }
0x2: {  	v4 =	vimm.s32 $0x4380;
	vm0 =	vcmask $0x300;
	vm1 =	vcmask $0x704  }
0x3: {  	vm2 =	vcmask $0xB08;
	vm3 =	vcmask $0xF0C;
	v6 =	vimm.s32 $0xC380  }
0x4: {  	vm4 =	vcmask $0x1310;
	v11 =	vimm.s32 $0x65432100;
	v14 =	vimm.s32 $0xE40000  }
0x5: {  	s1 =	srdreg.scid;
	v15 =	vimm.s32 $0x32100000;
	v4 =	vsel vm0, $0x0, v4;
	v6 =	vsel vm0, $0x8000, v6  }
0x6: {  	s0 =	stileid.u32;
	s4 =	sand.u32 $0x1, s1;
	vm0 =	vcmask $0x1714;
	v7 =	vor.u32 $0x10, v0;
	v14 =	vunpack.c.l.s2.s4 v14  }
0x7: {  	s31 =	sshll.u32 s0, $0x7;
	s2 =	sshll.u32 s4, $0x6;
	v4 =	vsel vm1, $0x80, v4;
	v6 =	vsel vm1, $0x8080, v6;
	vm1 =	vcmask $0x1B18  }
0x8: {  	s5 =	sor.u32 s2, s31;
	v4 =	vsel vm2, $0x100, v4;
	v6 =	vsel vm2, $0x8100, v6;
	vm2 =	vcmask $0x1F1C  }
0x9: {  	v14 =	vunpack.c.l.s4.s8 v14;
	v1 =	vmov s5;
	v3 =	vor.u32 s5, v0  }
0xa: {  	s1 =	sadd.s32 $0x40, s5;
	v4 =	vsel vm3, $0x180, v4;
	v6 =	vsel vm3, $0x8180, v6;
	vm3 =	vcmask $0x2320  }
0xb: {  	v2 =	vmov s1;
	v3 =	vand.u32 $0x4F, v3;
	v5 =	vshll.u32 v1, $0x3  }
0xc: {  	s6 =	sor.u32 $0x20, s5;
	v4 =	vsel vm4, $0x200, v4;
	v6 =	vsel vm4, $0x8200, v6;
	vm4 =	vcmask $0x2724  }
0xd: {  	v9 =	vor.u32 s6, v0;
	v14 =	vunpack.c.0.s8.s32 v14;
	v4 =	vsel vm0, $0x280, v4  }
0xe: {  	v5 =	vand.u32 $0x3C00, v5;
	v6 =	vsel vm0, $0x8280, v6;
	v4 =	vsel vm1, $0x300, v4  }
0xf: {  	vm0 =	vcmask $0x2B28;
	v9 =	vand.u32 $0x6F, v9;
	v4 =	vsel vm2, $0x380, v4  }
0x10: {  	v6 =	vsel vm1, $0x8300, v6;
	vm1 =	vcmask $0x2F2C;
	v4 =	vsel vm3, $0x4000, v4  }
0x11: {  	v3 =	vor.u32 v3, v5;
	v6 =	vsel vm2, $0x8380, v6;
	v4 =	vsel vm4, $0x4080, v4  }
0x12: {  	vm2 =	vcmask $0x3330;
	v6 =	vsel vm3, $0xC000, v6;
	v4 =	vsel vm0, $0x4100, v4  }
0x13: {  	vm3 =	vcmask $0x3734;
	v6 =	vsel vm4, $0xC080, v6;
	v4 =	vsel vm1, $0x4180, v4  }
0x14: {  	v6 =	vsel vm0, $0xC100, v6;
	vm0 =	vcmask $0x3B38;
	v4 =	vsel vm2, $0x4200, v4  }
0x15: {  	v6 =	vsel vm1, $0xC180, v6;
	vm1 =	vmmov $0x3;
	v4 =	vsel vm3, $0x4280, v4  }
0x16: {  	v6 =	vsel vm2, $0xC200, v6;
	v8 =	vsel vm0, $0x4300, v4;
	v4 =	vor.u32 s5, v7  }
0x17: {  	vm2 =	vmmov $0xf;
	v6 =	vsel vm3, $0xC280, v6;
	v4 =	vand.u32 $0x5F, v4  }
0x18: {  	vm3 =	vcmask $0x3F30;
	v4 =	vor.u32 v4, v5;
	v5 =	vmov s6  }
0x19: {  	v6 =	vsel vm0, $0xC300, v6;
	v7 =	vor.u32 s6, v7;
	v5 =	vshll.u32 v5, $0x3  }
0x1a: {  	v3 =	vor.u32 v8, v3;
	v10 =	vand.u32 $0x7FFFFC00, v5;
	v5 =	vimm.s32 $0xEDCBA987  }
0x1b: {  	v7 =	vand.u32 $0x7F, v7;
	v12 =	vunpack.c.l.s4.s8 v5;
	v5 =	vor.u32 v9, v10  }
0x1c: {  	v9 =	vunpack.c.l.s4.s8 v11;
	v7 =	vor.u32 v7, v10;
	v10 =	vimm.s32 $0xFFEDCBA9  }
0x1d: {  	v11 =	vimm.s32 $0x87654321;
	v5 =	vadd.s32 v8, v5;
	v8 =	vunpack.c.0.s8.s32 v12  }
0x1e: {  	v10 =	vunpack.c.l.s4.s8 v10;
	v9 =	vunpack.c.0.s8.s32 v9;
	v12 =	vimm.s32 $0xDCBA9876  }
0x1f: {  	v11 =	vunpack.c.l.s4.s8 v11;
	v12 =	vunpack.c.l.s4.s8 v12;
	v8 =	vand.u32 $0xF, v8  }
0x20: {  	v10 =	vunpack.c.0.s8.s32 v10;
	v8 =	vcombine.low v9, v8;
	v9 =	vimm.s32 $0x54321000  }
0x21: {  	v11 =	vunpack.c.0.s8.s32 v11;
	v13 =	vunpack.c.l.s4.s8 v9;
	v9 =	vimm.s32 $0xBA987654  }
0x22: {  	s7 =	rddreg [dreg:$0x1];
	s3 =	simm.s32 $0x0;
	vm0 =	vcmask $0x3F3C;
	v4 =	vor.u32 v6, v4;
	v16 =	vunpack.c.l.s4.s8 v9  }
0x23: {  	s9 =	simm.s32 $0x100;
	s10 =	simm.s32 $0x1;
	s11 =	simm.s32 $0x3000;
	v12 =	vunpack.c.0.s8.s32 v12;
	v9 =	vcombine.low v11, v10;
	v11 =	vunpack.c.l.s4.s8 v15  }
0x24: {  	s12 =	simm.s32 $0x9080;
	s13 =	simm.s32 $0x0;
	s4 =	ssub.s32 $0x2, s4;
	v6 =	vadd.s32 v6, v7;
	v10 =	vunpack.c.0.s8.s32 v13;
	v13 =	vunpack.c.0.s8.s32 v16  }
.Ltmp0:
0x25: {  	[smem:$0x7FF] =	sst s3;
	s8 =	sshrl.u32 s4, $0x1;
	v7 =	vimm.f32 $0.0e+00;
	v12 =	vand.u32 $0xF, v12;
	v11 =	vunpack.c.0.s8.s32 v11;
	(pc) =	sbr.rel .LBB2_1-.Ltmp0, $4  }
0x26: {  	s7 =	sadd.s32 $0x2800, s7;
	s2 =	rddreg [dreg:$0x2];
	s8 =	ssub.s32 s4, s8;
	v10 =	vcombine.low v10, v12;
	v12 =	vand.u32 $0xF, v13;
	v13 =	vimm.s32 $0x7060504  }
0x27: {  	s1 =	rddreg [dreg:$0x0];
	_ =	strace $0x80000047;
	s5 =	sshll.u32 s5, $0x8;
	v15 =	vimm.f32 $1.000000000e+00;
	v11 =	vcombine.low v11, v12;
	v12 =	vunpack.c.0.s8.s32 v13  }
0x28: {  	s4 =	sadd.s32 $0x10, s1;
	s5 =	sadd.s32 s7, s5;
	s6 =	sshll.u32 s6, $0x8;
	v16 =	vimm.s32 $0x1;
	v13 =	vand.u32 $0x3, v14;
	v14 =	vimm.s32 $0x0  }
0x29: {  	s6 =	sadd.s32 s7, s6;
	s7 =	smax.u32 s8, $0x1;
	s8 =	simm.s32 $0x80;
	v12 =	vsel vm3, v12, v13;
	vm3 =	vmmov $0xff;
	v13 =	vadd.s32 $0x1, v0  }
.LBB2_9:
0x2a: {  	s15 =	smov.u32 s14  }
.LBB2_13:
0x2b: {  	s15 =	sadd.s32 @p0 $0xFFFFFFF0, s15  }
0x2c: {  	s14 =	smov.u32 @p0 s15  }
0x2d: {  	v18 =	vmov s14  }
0x2e: {  	vm4 =	vgt.s32 v18, v0  }
0x2f: {  	v17 =	vnsel vm4, $0x7FFFFFFF, v17  }
0x30: {  	(xrf1) =	vsort.ascd.msk.u32 $0xffff, v17, v17;
	_ =	sdelay $0xd  }
0x31: {  	v17, _, _ =	vpop (xrf1)  }
0x32: {  	v18 =	vshrl.u32 v17, $0x5  }
0x33: {  	v19 =	vperm.xlane v18, v8;
	_ =	sdelay $0x1  }
0x34: {  	vm4 =	veq.s32 v18, v19  }
0x35: {  	v19 =	vsel vm4, $0x0, v0  }
0x36: {  	v20 =	vperm.xlane v19, v8  }
0x37: {  	vm4 =	veq.s32 v0, $0x0  }
0x38: {  	v20 =	vsel vm4, $0x0, v20  }
0x39: {  	vm5 =	vgt.s32 v19, v20  }
0x3a: {  	v19 =	vsel vm5, v19, v20  }
0x3b: {  	v54 =	vand.u32 $0x1F, v17;
	v21 =	vperm.xlane v19, v10  }
0x3c: {  	v22 =	vperm.xlane v54, v8  }
0x3d: {  	v21 =	vsel vm1, $0x0, v21  }
0x3e: {  	v23 =	vperm.xlane v18, v9;
	v22 =	vsel vm4, $0x0, v22;
	vm4 =	vgt.s32 v19, v21  }
0x3f: {  	v20 =	vadd.s32 v22, v54;
	v19 =	vsel vm4, v19, v21  }
0x40: {  	vm5 =	vne.s32 v18, v23;
	v55 =	vperm.xlane v20, v10;
	v56 =	vperm.xlane v19, v11  }
0x41: {  	vm5 =	vmor vm5, vm0  }
0x42: {  	vm4 =	vlt.u32 v17, $0x200000;
	v21 =	vsel vm1, $0x0, v55;
	v22 =	vsel vm2, $0x0, v56  }
0x43: {  	v17 =	vshrl.u32 v17, $0x10;
	v20 =	vadd.s32 v21, v20;
	vm6 =	vgt.s32 v19, v22  }
0x44: {  	vm4 =	vmand vm4, vm5;
	v21 =	vperm.xlane v20, v11;
	v19 =	vsel vm6, v19, v22  }
0x45: {  	v18 =	vand.u32 $0x7FF, v18;
	v17 =	vnsel vm4, $0x0, v17;
	v22 =	vperm.xlane v19, v12  }
0x46: {  	v18 =	vnsel vm4, $0x0, v18;
	v57 =	vshll.u32 v17, $0x7;
	v21 =	vsel vm2, $0x0, v21  }
0x47: {  	v59 =	vand.u32 $0x7F, v18;
	v20 =	vadd.s32 v21, v20;
	v58 =	vsel vm3, $0x0, v22  }
0x48: {  	v17 =	vshll.u32 v17, $0xB;
	v24 =	vperm.xlane v20, v12;
	vm5 =	vgt.s32 v19, v58  }
0x49: {  	v18 =	vshll.u32 v18, $0x3;
	v17 =	vand.u32 $0x7FFC000, v17;
	v19 =	vsel vm5, v19, v58  }
0x4a: {  	v18 =	vand.u32 $0x3C00, v18;
	v60 =	vsel vm3, $0x0, v24;
	v61 =	vmax.u32 v19, $0x1  }
0x4b: {  	v18 =	vor.u32 v59, v18;
	v20 =	vadd.s32 v60, v20;
	v62 =	vsub.s32 v61, v16  }
0x4c: {  	v63 =	vand.u32 $0x380, v57;
	v17 =	vor.u32 v17, v18;
	v21 =	vperm.xlane v20, v62  }
0x4d: {  	v17 =	vor.u32 v63, v17;
	vm5 =	veq.s32 v19, $0x0  }
0x4e: {  	v18 =	vsel vm5, $0x0, v21  }
0x4f: {  	v18 =	vsub.s32 v20, v18  }
0x50: {  	v18 =	vcvt.s32.f32 v18;
	_ =	sdelay $0x1  }
0x51: {  	[tilespmem:v17+s12+$0x0] =	vst.idx.add.f32.msk vm4, v18  }
.LBB2_14:
0x52: {  	_ =	sdelay $0x2  }
0x53: {  	s13 =	sadd.s32 $0x1, s13  }
0x54: {  	[tilespmem:v5+s12+$0x0] =	vst.idx.add.f32.msk $0xffff, v15;
	p0 =	sne.s32 s13, s7  }
.Ltmp1:
0x55: {  	[tilespmem:v6+s12+$0x0] =	vst.idx.add.f32.msk $0xffff, v15;
	(pc) =	sbr.rel @!p0 .LBB2_15-.Ltmp1, $4  }
0x56: {  	[hbm4b:s6+s3] =	stream.linear.scatter [tilespmem:s12], [sflag:$0x1], $0x10000, $0x38;
	[tilespmem:$0x19080] =	vst v63  }
0x57: {  	_ =	swait.ge [sflag:s10], $0x10000  }
0x58: {  	[sflag:s10] =	ssyncset.done $0x0  }
0x59: {  	[sflag:s10] =	ssyncadd.s32 $0xFFFF0000  }
.LBB2_1:
0x5a: {  	[tilespmem:s3], [sflag:$0x1] =	stream.strided.gather [hbm4b:s1+s8], $0x3000, s9, s8, $0x38;
	[tilespmem:$0x19080] =	vst v63  }
0x5b: {  	_ =	swait.ge [sflag:s10], $0x3000  }
0x5c: {  	[sflag:s10] =	ssyncset.done $0x0  }
0x5d: {  	s15 =	simm.s32 $0x0;
	[sflag:s10] =	ssyncadd.s32 $0xFFFFD000  }
0x5e: {  	[tilespmem:s11], [sflag:$0x1] =	stream.strided.gather [hbm4b:s4+s8], $0x3000, s9, s8, $0x38;
	[tilespmem:$0x19080] =	vst v63  }
0x5f: {  	s14 =	sand.u32 $0xC000, s3;
	s16 =	sand.u32 $0x3C00, s3;
	_ =	swait.ge [sflag:s10], $0x3000  }
0x60: {  	s17 =	sand.u32 $0x380, s15;
	s14 =	sor.u32 s16, s14;
	[sflag:s10] =	ssyncset.done $0x0  }
0x61: {  	s16 =	sor.u32 s17, s14;
	[sflag:s10] =	ssyncadd.s32 $0xFFFFD000  }
0x62: {  	[tilespmem:s16+$0x90F0] =	vst v7  }
0x63: {  	[tilespmem:s16+$0x9080] =	vst v7  }
0x64: {  	[tilespmem:s16+$0x9090] =	vst v7  }
0x65: {  	[tilespmem:s16+$0x90A0] =	vst v7  }
0x66: {  	s18 =	simm.s32 $0x80;
	s17 =	simm.s32 $0x400;
	[tilespmem:s16+$0x90B0] =	vst v7  }
.LBB2_2:
0x67: {  	s15 =	sadd.s32 $0x8, s15;
	s14 =	sand.u32 $0xC000, s18;
	s19 =	sand.u32 $0x3C00, s17;
	[tilespmem:s16+$0x90C0] =	vst v7  }
0x68: {  	s20 =	sand.u32 $0x380, s15;
	s14 =	sor.u32 s19, s14;
	p0 =	slt.u32 s15, $0xFF8;
	[tilespmem:s16+$0x90D0] =	vst v7  }
0x69: {  	[tilespmem:s16+$0x90E0] =	vst v7;
	s16 =	sor.u32 s20, s14  }
.Ltmp2:
0x6a: {  	s14 =	simm.s32 $0x0;
	[tilespmem:s16+$0x90F0] =	vst v7;
	(pc) =	sbr.rel @p0 .LBB2_2-.Ltmp2, $4  }
0x6b: {  	[tilespmem:s16+$0x9080] =	vst v7  }
0x6c: {  	[tilespmem:s16+$0x9090] =	vst v7  }
0x6d: {  	[tilespmem:s16+$0x90A0] =	vst v7  }
0x6e: {  	s17 =	sadd.s32 $0x400, s17;
	s18 =	sadd.s32 $0x80, s18;
	[tilespmem:s16+$0x90B0] =	vst v7  }
0x6f: {  	[tilespmem:s16+$0x90C0] =	vst v7  }
0x70: {  	[tilespmem:s16+$0x90D0] =	vst v7  }
0x71: {  	[tilespmem:s16+$0x90E0] =	vst v7;
	s15 =	simm.s32 $0x0  }
.LBB2_4:
0x72: {  	s16 =	sshra.s32 s15, $0x2  }
0x73: {  	v17 =	vld [tilespmem:s16+$0x3000];
	_ =	sdelay $0x4  }
0x74: {  	vm4 =	vge.s32 v17, v1;
	vm5 =	vlt.s32 v17, v2  }
0x75: {  	vm4 =	vmand vm4, vm5  }
0x76: {  	v18 =	vsel vm4, $0x3F800000, v7  }
0x77: {  	(xrf0) =	vmax.scan.msk.f32 $0xffff, v18;
	_ =	sdelay $0x5  }
0x78: {  	v18, _, _ =	vpop (xrf0)  }
0x79: {  	(v2sf) =	vpush v18, $0xF;
	_ =	sdelay $0xe  }
0x7a: {  	s17 =	spop (v2sf)  }
0x7b: {  	p0 =	sgt.f32 s17, $0.0e+00;
	_ =	sdelay $0x1  }
0x7c: {  	v18 =	vld @p0 [tilespmem:s16+$0x0];
	_ =	sdelay $0x2  }
0x7d: {  	v17 =	vsub.s32 @p0 v17, v1  }
0x7e: {  	v17 =	vshll.u32 @p0 v17, $0xB  }
0x7f: {  	v17 =	vadd.s32 @p0 v17, v18  }
0x80: {  	v17 =	vnsel @p0 vm4, $0x7FFFFFFF, v17  }
0x81: {  	(xrf1) =	vsort.ascd.msk.u32 @p0 $0xffff, v17, v17;
	_ =	sdelay $0xd  }
0x82: {  	v17, _, _ =	vpop @p0 (xrf1)  }
0x83: {  	v18 =	vperm.xlane @p0 v17, v8;
	_ =	sdelay $0x1  }
0x84: {  	v19 =	vperm.xlane @p0 v17, v9;
	vm4 =	veq.s32 @p0 v17, v18  }
0x85: {  	v18 =	vsel @p0 vm4, $0x0, v0  }
0x86: {  	vm5 =	vne.s32 @p0 v17, v19;
	v19 =	vadd.s32 @p0 $0xFFFF0000, v17;
	v20 =	vperm.xlane @p0 v18, v8  }
0x87: {  	vm6 =	veq.s32 @p0 v0, $0x0;
	vm5 =	vmor @p0 vm5, vm0;
	vm4 =	vlt.u32 @p0 v19, $0x7FFEFFFF  }
0x88: {  	vm4 =	vmand @p0 vm5, vm4;
	v19 =	vsel @p0 vm6, $0x0, v20  }
0x89: {  	v20 =	vsel @p0 vm4, $0x1, v14;
	vm6 =	vgt.s32 @p0 v18, v19  }
0x8a: {  	(xrf0) =	vadd.scan.msk.s32 @p0 $0xffff, v20;
	v18 =	vsel @p0 vm6, v18, v19  }
0x8b: {  	v19 =	vperm.xlane @p0 v18, v10;
	_ =	sdelay $0x1  }
0x8c: {  	v19 =	vsel @p0 vm1, $0x0, v19;
	_ =	sdelay $0x1  }
0x8d: {  	vm6 =	vgt.s32 @p0 v18, v19  }
0x8e: {  	v18 =	vsel @p0 vm6, v18, v19;
	v19, _, _ =	vpop @p0 (xrf0)  }
0x8f: {  	(v2sf) =	vpush @p0 v19, $0xF  }
0x90: {  	v20 =	vperm.xlane @p0 v18, v11;
	_ =	sdelay $0x1  }
0x91: {  	vm6 =	vlt.s32 @p0 v17, $0x10000;
	v19 =	vsel @p0 vm2, $0x0, v20  }
0x92: {  	vm5 =	vmand @p0 vm6, vm5;
	v20 =	vand.u32 @p0 $0x7FF, v17;
	vm6 =	vgt.s32 @p0 v18, v19  }
0x93: {  	v20 =	vnsel @p0 vm5, $0x0, v20;
	v18 =	vsel @p0 vm6, v18, v19;
	v19 =	vshrl.u32 @p0 v17, $0xB  }
0x94: {  	v22 =	vshll.u32 @p0 v20, $0x3;
	v20 =	vand.u32 @p0 $0x7F, v20;
	v19 =	vnsel @p0 vm5, $0x0, v19  }
0x95: {  	v21 =	vperm.xlane @p0 v18, v12;
	v22 =	vand.u32 @p0 $0x3C00, v22;
	v23 =	vshll.u32 @p0 v19, $0xB  }
0x96: {  	v19 =	vshll.u32 @p0 v19, $0x7;
	v20 =	vor.u32 @p0 v20, v22;
	v23 =	vand.u32 @p0 $0xFFFFC000, v23  }
0x97: {  	v21 =	vsel @p0 vm3, $0x0, v21;
	v19 =	vand.u32 @p0 $0x380, v19;
	v20 =	vor.u32 @p0 v23, v20  }
0x98: {  	vm6 =	vgt.s32 @p0 v18, v21;
	v19 =	vor.u32 @p0 v19, v20  }
0x99: {  	v18 =	vsel @p0 vm6, v18, v21  }
0x9a: {  	v18 =	vsub.s32 @p0 v13, v18  }
0x9b: {  	v17 =	vshll.u32 @p0 v17, $0x5;
	v20 =	vcvt.s32.f32 @p0 v18  }
0x9c: {  	v17 =	vadd.s32 @p0 $0xFFE00000, v17  }
0x9d: {  	s15 =	sadd.s32 $0x40, s15;
	v17 =	vor.u32 @p0 v17, v18;
	[tilespmem:v19+s12+$0x0] =	vst.idx.add.f32.msk @p0 vm5, v20;
	s16 =	spop @p0 (v2sf)  }
0x9e: {  	[tilespmem:s14+$0x6000] =	vst.msk @p0 vm4, v17;
	s14 =	sadd.s32 @p0 s14, s16;
	p0 =	sne.s32 s15, $0xC000  }
.Ltmp3:
0x9f: {  	_ = 	snop;
	(pc) =	sbr.rel @p0 .LBB2_4-.Ltmp3, $1  }
0xa0: {  	_ =	sdelay $0x3  }
0xa1: {  	_ =	sdelay $0x3  }
0xa2: {  	[tilespmem:v3+s12+$0x0] =	vst.idx.add.f32.msk $0xffff, v15  }
0xa3: {  	s15 =	simm.s32 $0x0;
	s16 =	simm.s32 $0x0;
	[tilespmem:v4+s12+$0x0] =	vst.idx.add.f32.msk $0xffff, v15  }
0xa4: {  	[hbm4b:s5+s15] =	stream.linear.scatter [tilespmem:s12], [sflag:$0x1], $0x10000, $0x38;
	[tilespmem:$0x19080] =	vst v63  }
0xa5: {  	s17 =	sand.u32 $0xC000, s15;
	s15 =	sand.u32 $0x3C00, s15;
	_ =	swait.ge [sflag:s10], $0x10000  }
0xa6: {  	s18 =	sand.u32 $0x380, s16;
	s15 =	sor.u32 s15, s17;
	[sflag:s10] =	ssyncset.done $0x0  }
0xa7: {  	s15 =	sor.u32 s18, s15;
	[sflag:s10] =	ssyncadd.s32 $0xFFFF0000  }
0xa8: {  	[tilespmem:s15+$0x90F0] =	vst v7  }
0xa9: {  	[tilespmem:s15+$0x9080] =	vst v7  }
0xaa: {  	[tilespmem:s15+$0x9090] =	vst v7  }
0xab: {  	[tilespmem:s15+$0x90A0] =	vst v7  }
0xac: {  	s17 =	simm.s32 $0x400;
	s18 =	simm.s32 $0x80;
	[tilespmem:s15+$0x90B0] =	vst v7  }
.LBB2_6:
0xad: {  	s16 =	sadd.s32 $0x8, s16;
	s19 =	sand.u32 $0xC000, s18;
	s20 =	sand.u32 $0x3C00, s17;
	[tilespmem:s15+$0x90C0] =	vst v7  }
0xae: {  	s21 =	sand.u32 $0x380, s16;
	s19 =	sor.u32 s20, s19;
	p0 =	slt.u32 s16, $0xFF8;
	[tilespmem:s15+$0x90D0] =	vst v7  }
0xaf: {  	[tilespmem:s15+$0x90E0] =	vst v7;
	s15 =	sor.u32 s21, s19  }
.Ltmp4:
0xb0: {  	[tilespmem:s15+$0x90F0] =	vst v7;
	(pc) =	sbr.rel @p0 .LBB2_6-.Ltmp4, $4  }
0xb1: {  	[tilespmem:s15+$0x9080] =	vst v7  }
0xb2: {  	[tilespmem:s15+$0x9090] =	vst v7  }
0xb3: {  	[tilespmem:s15+$0x90A0] =	vst v7  }
0xb4: {  	s17 =	sadd.s32 $0x400, s17;
	s18 =	sadd.s32 $0x80, s18;
	[tilespmem:s15+$0x90B0] =	vst v7  }
0xb5: {  	s16 =	sadd.s32 $0xF, s14  }
0xb6: {  	s17 =	sand.u32 $0xF, s16  }
0xb7: {  	s31 =	sshra.s32 s16, $0x1F;
	p1 =	slt.s32 s16, $0x1;
	p0 =	sne.s32 s17, $0x0  }
0xb8: {  	s17 =	sshrl.u32 s31, $0x1C;
	p0 =	por !p1, !p0  }
0xb9: {  	s16 =	sadd.s32 s17, s16;
	s17 =	simm.s32 $0x1;
	p0 =	por !p0, !p0  }
0xba: {  	s16 =	sshra.s32 s16, $0x4;
	s17 =	simm.s32 @!p0 $0x0  }
0xbb: {  	s16 =	ssub.s32 s16, s17  }
0xbc: {  	p0 =	slt.s32 s16, $0x1  }
.Ltmp5:
0xbd: {  	_ = 	snop;
	(pc) =	sbr.rel @p0 .LBB2_14-.Ltmp5, $4  }
0xbe: {  	_ = 	snop  }
0xbf: {  	[tilespmem:s15+$0x90C0] =	vst v7  }
0xc0: {  	[tilespmem:s15+$0x90D0] =	vst v7  }
0xc1: {  	[tilespmem:s15+$0x90E0] =	vst v7;
	s15 =	simm.s32 $0x6000  }
0xc2: {  	p1 =	sne.s32 s16, $0x1  }
.Ltmp6:
0xc3: {  	_ = 	snop;
	(pc) =	sbr.rel @!p1 .LBB2_9-.Ltmp6, $2  }
0xc4: {  	_ =	sdelay $0x2  }
0xc5: {  	v17 =	vld [tilespmem:s15+$0x0];
	s17 =	sadd.s32 $0xFFFFFFFF, s16;
	p0 =	por $0x0, $0x0  }
0xc6: {  	_ =	sdelay $0x1  }
0xc7: {  	v18 =	vmov s14  }
0xc8: {  	vm4 =	vgt.s32 v18, v0  }
0xc9: {  	v17 =	vnsel vm4, $0x7FFFFFFF, v17  }
0xca: {  	(xrf1) =	vsort.ascd.msk.u32 $0xffff, v17, v17;
	_ =	sdelay $0xd  }
0xcb: {  	v17, _, _ =	vpop (xrf1)  }
0xcc: {  	v18 =	vshrl.u32 v17, $0x5  }
0xcd: {  	v19 =	vperm.xlane v18, v8;
	_ =	sdelay $0x1  }
0xce: {  	vm4 =	veq.s32 v18, v19  }
0xcf: {  	v19 =	vsel vm4, $0x0, v0  }
0xd0: {  	v20 =	vperm.xlane v19, v8  }
0xd1: {  	vm4 =	veq.s32 v0, $0x0  }
0xd2: {  	v20 =	vsel vm4, $0x0, v20  }
0xd3: {  	vm5 =	vgt.s32 v19, v20  }
0xd4: {  	v19 =	vsel vm5, v19, v20  }
0xd5: {  	v54 =	vand.u32 $0x1F, v17;
	v21 =	vperm.xlane v19, v10  }
0xd6: {  	v22 =	vperm.xlane v54, v8  }
0xd7: {  	v21 =	vsel vm1, $0x0, v21  }
0xd8: {  	v23 =	vperm.xlane v18, v9;
	v22 =	vsel vm4, $0x0, v22;
	vm5 =	vgt.s32 v19, v21  }
0xd9: {  	v20 =	vadd.s32 v22, v54;
	v19 =	vsel vm5, v19, v21  }
0xda: {  	vm6 =	vne.s32 v18, v23;
	v55 =	vperm.xlane v20, v10;
	v56 =	vperm.xlane v19, v11  }
0xdb: {  	vm6 =	vmor vm6, vm0  }
0xdc: {  	vm5 =	vlt.u32 v17, $0x200000;
	v21 =	vsel vm1, $0x0, v55;
	v22 =	vsel vm2, $0x0, v56  }
0xdd: {  	v17 =	vshrl.u32 v17, $0x10;
	v20 =	vadd.s32 v21, v20;
	vm7 =	vgt.s32 v19, v22  }
0xde: {  	vm5 =	vmand vm5, vm6;
	v21 =	vperm.xlane v20, v11;
	v19 =	vsel vm7, v19, v22  }
0xdf: {  	v18 =	vand.u32 $0x7FF, v18;
	v17 =	vnsel vm5, $0x0, v17;
	v22 =	vperm.xlane v19, v12  }
0xe0: {  	v18 =	vnsel vm5, $0x0, v18;
	v57 =	vshll.u32 v17, $0x7;
	v21 =	vsel vm2, $0x0, v21  }
0xe1: {  	v59 =	vand.u32 $0x7F, v18;
	v20 =	vadd.s32 v21, v20;
	v58 =	vsel vm3, $0x0, v22  }
0xe2: {  	v17 =	vshll.u32 v17, $0xB;
	v24 =	vperm.xlane v20, v12;
	vm6 =	vgt.s32 v19, v58  }
0xe3: {  	v18 =	vshll.u32 v18, $0x3;
	v17 =	vand.u32 $0x7FFC000, v17;
	v19 =	vsel vm6, v19, v58  }
0xe4: {  	v18 =	vand.u32 $0x3C00, v18;
	v60 =	vsel vm3, $0x0, v24;
	v61 =	vmax.u32 v19, $0x1  }
0xe5: {  	v18 =	vor.u32 v59, v18;
	v20 =	vadd.s32 v60, v20;
	v62 =	vsub.s32 v61, v16  }
0xe6: {  	v63 =	vand.u32 $0x380, v57;
	v17 =	vor.u32 v17, v18;
	v21 =	vperm.xlane v20, v62  }
0xe7: {  	v17 =	vor.u32 v63, v17;
	vm6 =	veq.s32 v19, $0x0  }
0xe8: {  	p1 =	sne.s32 s17, $0x1;
	v18 =	vsel vm6, $0x0, v21  }
.Ltmp7:
0xe9: {  	v18 =	vsub.s32 v20, v18;
	(pc) =	sbr.rel @!p1 .LBB2_11-.Ltmp7, $3  }
0xea: {  	v18 =	vcvt.s32.f32 v18;
	_ =	sdelay $0x1  }
0xeb: {  	s16 =	sadd.s32 $0x10, s15;
	[tilespmem:v17+s12+$0x0] =	vst.idx.add.f32.msk vm5, v18  }
0xec: {  	s17 =	sadd.s32 $0xFFFFFFFF, s17;
	p0 =	por $0x1, $0x1;
	s15 =	smov.u32 s14;
	v17 =	vld [tilespmem:s16+$0x0]  }
.LBB2_12:
0xed: {  	p1 =	sne.s32 s17, $0x1  }
0xee: {  	s15 =	sadd.s32 $0xFFFFFFF0, s15  }
0xef: {  	v18 =	vmov s15  }
0xf0: {  	vm5 =	vgt.s32 v18, v0  }
0xf1: {  	v17 =	vnsel vm5, $0x7FFFFFFF, v17  }
0xf2: {  	(xrf1) =	vsort.ascd.msk.u32 $0xffff, v17, v17;
	_ =	sdelay $0xd  }
0xf3: {  	v17, _, _ =	vpop (xrf1)  }
0xf4: {  	v18 =	vshrl.u32 v17, $0x5  }
0xf5: {  	v19 =	vperm.xlane v18, v8;
	_ =	sdelay $0x1  }
0xf6: {  	vm5 =	veq.s32 v18, v19  }
0xf7: {  	v19 =	vsel vm5, $0x0, v0  }
0xf8: {  	v20 =	vperm.xlane v19, v8;
	_ =	sdelay $0x1  }
0xf9: {  	v20 =	vsel vm4, $0x0, v20  }
0xfa: {  	vm5 =	vgt.s32 v19, v20  }
0xfb: {  	v19 =	vsel vm5, v19, v20  }
0xfc: {  	v20 =	vand.u32 $0x1F, v17;
	v21 =	vperm.xlane v19, v10  }
0xfd: {  	v22 =	vperm.xlane v20, v8  }
0xfe: {  	v21 =	vsel vm1, $0x0, v21  }
0xff: {  	v22 =	vsel vm4, $0x0, v22;
	vm5 =	vgt.s32 v19, v21  }
0x100: {  	v23 =	vperm.xlane v18, v9;
	v20 =	vadd.s32 v22, v20;
	v19 =	vsel vm5, v19, v21  }
0x101: {  	v21 =	vperm.xlane v20, v10;
	v22 =	vperm.xlane v19, v11  }
0x102: {  	vm5 =	vlt.u32 v17, $0x200000;
	v17 =	vshrl.u32 v17, $0x10  }
0x103: {  	vm6 =	vne.s32 v18, v23;
	v21 =	vsel vm1, $0x0, v21;
	v22 =	vsel vm2, $0x0, v22  }
0x104: {  	vm6 =	vmor vm6, vm0;
	v20 =	vadd.s32 v21, v20;
	vm7 =	vgt.s32 v19, v22  }
0x105: {  	vm5 =	vmand vm5, vm6;
	v21 =	vperm.xlane v20, v11;
	v19 =	vsel vm7, v19, v22  }
0x106: {  	v18 =	vand.u32 $0x7FF, v18;
	v17 =	vnsel vm5, $0x0, v17;
	v22 =	vperm.xlane v19, v12  }
0x107: {  	v18 =	vnsel vm5, $0x0, v18;
	v23 =	vshll.u32 v17, $0x7;
	v21 =	vsel vm2, $0x0, v21  }
0x108: {  	v20 =	vadd.s32 v21, v20;
	v21 =	vsel vm3, $0x0, v22;
	v22 =	vand.u32 $0x7F, v18  }
0x109: {  	v17 =	vshll.u32 v17, $0xB;
	v24 =	vperm.xlane v20, v12;
	vm6 =	vgt.s32 v19, v21  }
0x10a: {  	v17 =	vand.u32 $0x7FFC000, v17;
	v18 =	vshll.u32 v18, $0x3;
	v19 =	vsel vm6, v19, v21  }
0x10b: {  	v18 =	vand.u32 $0x3C00, v18;
	v21 =	vsel vm3, $0x0, v24;
	v24 =	vmax.u32 v19, $0x1  }
0x10c: {  	v18 =	vor.u32 v22, v18;
	v20 =	vadd.s32 v21, v20;
	v21 =	vsub.s32 v24, v16  }
0x10d: {  	v22 =	vand.u32 $0x380, v23;
	v17 =	vor.u32 v17, v18;
	v21 =	vperm.xlane v20, v21  }
0x10e: {  	vm6 =	veq.s32 v19, $0x0;
	v17 =	vor.u32 v22, v17  }
0x10f: {  	v18 =	vsel vm6, $0x0, v21  }
.Ltmp8:
0x110: {  	v18 =	vsub.s32 v20, v18;
	(pc) =	sbr.rel @p1 .LBB2_12-.Ltmp8, $3  }
0x111: {  	v18 =	vcvt.s32.f32 v18;
	_ =	sdelay $0x1  }
0x112: {  	s16 =	sadd.s32 $0x10, s16;
	[tilespmem:v17+s12+$0x0] =	vst.idx.add.f32.msk vm5, v18  }
0x113: {  	s17 =	sadd.s32 $0xFFFFFFFF, s17;
	v17 =	vld [tilespmem:s16+$0x0]  }
.Ltmp9:
0x114: {  	_ = 	snop;
	(pc) =	sbr.rel .LBB2_13-.Ltmp9, $1  }
0x115: {  	_ =	sdelay $0x3  }
.LBB2_11:
.Ltmp10:
0x116: {  	(pc) =	sbr.rel .LBB2_13-.Ltmp10, $2  }
0x117: {  	_ =	sdelay $0x2  }
0x118: {  	s15 =	smov.u32 s14  }
.LBB2_15:
0x119: {  	_ =	sfence.sel $0x180000  }
0x11a: {  	[bflag:$0x0] =	sbarrier.arrive $0xFFFF  }
0x11b: {  	p0 =	sne.s32 s0, $0x0;
	_ =	strace $0x90000047  }
0x11c: {  	s0 =	sadd.s32 @!p0 $0x100000, s2;
	[bflag:$0x2] =	sbarrier.arrive $0xFFFF  }
0x11d: {  	[sflag:s0] =	ssyncadd.tile.s32 @!p0 $0x1;
	_ =	shalt  }
.Lfunc_end2:
_tile_overlayer_lowered:
.L_overlay_start_2:
0x11e: {  	(tag) =	ssettag $0x2  }
0x11f: {  	s0 =	rddreg [dreg:$0x0];
	s2 =	stileid.u32  }
0x120: {  	s1 =	rddreg [dreg:$0x1];
	p0 =	sne.s32 s2, $0x0  }
0x121: {  	s3 =	rddreg [dreg:$0x2];
	[bflag:$0x3] =	sbarrier.arrive $0xFFFF;
	s2 =	simm.s32 @!p0 $0x1C01  }
0x122: {  	[timem:s3], [sflag:s2] =	dma.local @!p0 [hbm:s0], s1  }
0x123: {  	s0 =	simm.s32 @!p0 $0x1  }
0x124: {  	_ =	swait.ge @!p0 [sflag:s0], s1  }
0x125: {  	s1 =	ssub.s32 @!p0 $0x0, s1;
	[sflag:s0] =	ssyncset.done @!p0 $0x0  }
0x126: {  	[sflag:s0] =	ssyncadd.s32 @!p0 s1  }
0x127: {  	[bflag:$0x3] =	sbarrier.arrive $0xFFFF  }
0x128: {  	_ =	shalt  }

</sc_bundles>
